<compile_context>
chip_gen: v7x
topology: tpu7x:2x2x1
jax: 0.10.2.dev20260603
libtpu: 0.0.44.dev20260713+nightly
codegen_flags: <defaults>
</compile_context>

<pallas_src>
import functools

import jax
import jax.numpy as jnp
from jax import lax
from jax.experimental import pallas as pl
from jax.experimental.pallas import tpu as pltpu
from jax.experimental.pallas import tpu_sc as plsc

_B = 64
_W = 512
_WC = _W // 2
_N = _WC + 1
_L = 16
_NCHUNK = 17
_NPAD = _NCHUNK * _L

_LN2 = 0.6931471805599453
_SQRT2 = 1.4142135623730951
_TWO23 = 8388608.0


def _sc_sqrt(v):
    i = plsc.bitcast(v, jnp.int32)
    i = 0x5F3759DF - jnp.right_shift(i, 1)
    y = plsc.bitcast(i, jnp.float32)
    for _ in range(3):
        y = y * (1.5 - 0.5 * v * y * y)
    return v * y


def _sc_log(u):
    bits = plsc.bitcast(u, jnp.int32)
    e = jnp.right_shift(bits, 23) - 127
    mbits = jnp.bitwise_or(jnp.bitwise_and(bits, 0x007FFFFF), 0x3F800000)
    m = plsc.bitcast(mbits, jnp.float32)
    big = m >= jnp.float32(_SQRT2)
    m = jnp.where(big, 0.5 * m, m)
    ef = e.astype(jnp.float32) + jnp.where(big, 1.0, 0.0)
    t = (m - 1.0) / (m + 1.0)
    t2 = t * t
    poly = 1.0 + t2 * (
        jnp.float32(1 / 3)
        + t2 * (jnp.float32(1 / 5) + t2 * (jnp.float32(1 / 7) + t2 * jnp.float32(1 / 9)))
    )
    return 2.0 * t * poly + ef * jnp.float32(_LN2)


def _sc_body(pr_hbm, out_hbm, par_v, row_v):
    info = plsc.get_sparse_core_info()
    nc = info.num_cores
    wid = lax.axis_index("s") * nc + lax.axis_index("c")
    pltpu.sync_copy(pr_hbm, par_v)

    chunk_base = (wid // 8) * _L
    par_chunk = par_v[pl.ds(chunk_base, _L)]
    for r in range(2):
        row = wid * 2 + r
        lane = row - chunk_base
        dnums = lax.GatherDimensionNumbers(
            offset_dims=(), collapsed_slice_dims=(0,), start_index_map=(0,))
        p = lax.gather(
            par_chunk, jnp.full((_L, 1), lane, jnp.int32), dnums, (1,),
            mode=lax.GatherScatterMode.PROMISE_IN_BOUNDS)
        a = 0.25 / (p * p)
        s0 = _sc_sqrt(a)
        integ0 = 0.5 * (a * _sc_log(s0))
        two_p = 2.0 * p
        for j in range(_NCHUNK):
            x = (lax.iota(jnp.int32, _L) + j * _L).astype(jnp.float32)
            row_v[pl.ds(j * _L, _L)] = (x + p).astype(jnp.int32)
        pltpu.sync_copy(row_v, out_hbm.at[row])


def kernel(adv_patch, parabola_rate):
    del adv_patch
    mesh = plsc.VectorSubcoreMesh(core_axis_name="c", subcore_axis_name="s")
    run = pl.kernel(
        _sc_body,
        out_type=jax.ShapeDtypeStruct((_B, _NPAD), jnp.int32),
        scratch_types=[
            pltpu.VMEM((_B,), jnp.float32),
            pltpu.VMEM((_NPAD,), jnp.int32),
        ],
        mesh=mesh,
        compiler_params=pltpu.CompilerParams(needs_layout_passes=False),
    )
    out = run(parabola_rate.reshape(_B))
    return out[:, :_N, None]

# --- scband reference (transcript-rebuilt; emitter-appended) ---
"""Pipeline reference for scband-projector-11089605558422 (READ-ONLY COPY).

The authoritative reference and input builder live on the scoring server;
editing this copy changes nothing except your own understanding.
"""

import jax, jax.numpy as jnp
import numpy as np

B = 64
C = 3
H = 512
W = 512
WC = W // 2
PARABOLA_RATE = 0.05


def tf_integral(x, a):
    return 0.5 * (x * jnp.sqrt(x ** 2 + a) + a * jnp.log(jnp.abs(x + jnp.sqrt(x ** 2 + a))))


def tf_pre_parabol(x, par, width_center):
    x = x - width_center
    prev = 2.0 * par * (tf_integral(jnp.abs(x), 0.25 / par ** 2) - tf_integral(0.0, 0.25 / par ** 2))
    return prev + width_center


def setup_inputs(seed: int = 0) -> dict:
    key = jax.random.key(seed)
    k1, k2 = jax.random.split(key)
    adv_patch = jax.random.normal(k1, (B, C, H, W), dtype=jnp.float32)
    # buffer derived from init kwargs: parabola_rate repeated to [batch_size, 1]
    parabola_rate = jnp.full((B, 1), PARABOLA_RATE, dtype=jnp.float32)
    return {"adv_patch": adv_patch, "parabola_rate": parabola_rate}


def reference(adv_patch, parabola_rate):
    wc = WC
    adv = jnp.transpose(adv_patch, (0, 2, 3, 1))  # [B, H, W, C]
    # right cumsum along width, pad leading zero row, transpose -> [B, wc+1, H, C]
    t = jnp.cumsum(adv[:, :, wc:], axis=2)
    t = jnp.pad(t, ((0, 0), (0, 0), (1, 0), (0, 0)))
    right_cumsum = jnp.swapaxes(t, 1, 2)
    # left cumsum (note: original torch code flips the LAST axis, i.e. channels)
    t = jnp.flip(adv[:, :, :wc], axis=-1)
    t = jnp.cumsum(t, axis=2)
    t = jnp.pad(t, ((0, 0), (0, 0), (1, 0), (0, 0)))
    left_cumsum = jnp.swapaxes(t, 1, 2)
    # parabola anchor positions
    xs = jnp.arange(wc, W + 1, dtype=jnp.float32)[None, :]  # [1, wc+1]
    xs = tf_pre_parabol(xs, parabola_rate, wc)  # [B, wc+1]
    xs = jnp.clip(xs - wc, 0, wc)
    xs = jnp.round(xs).astype(jnp.int32)
    anchors = xs[..., None]  # [B, wc+1, 1] int32
    bidx = jnp.arange(parabola_rate.shape[0], dtype=jnp.float32)[:, None, None]
    anch_inds = jnp.tile(bidx, (1, wc + 1, 1))
    new_anchors = jnp.concatenate([anch_inds, anchors.astype(jnp.float32)], axis=2)  # [B, wc+1, 2]
    anchors_div = jnp.clip((anchors[:, 1:] - anchors[:, :-1]).astype(jnp.float32), 1, W)[..., None]
    # th_gather_nd: flat-index gather into right_cumsum using (batch, anchor) coords
    s = right_cumsum.shape
    stride0 = s[1] * s[2] * s[3]
    stride1 = s[2] * s[3]
    coords = new_anchors.reshape(-1, 2).astype(jnp.int32)
    flat_inds = coords[:, 0] * stride0 + coords[:, 1] * stride1
    right_anchors_cumsum = jnp.take(right_cumsum.reshape(-1), flat_inds)
    return anchors

if __name__ == "__main__":
    import jax
    _d = setup_inputs()
    print(jax.jit(kernel)(*tuple(_d.values())))

</pallas_src>

<mosaic_0001>
#map = affine_map<(d0, d1) -> (0)>
#map1 = affine_map<(d0, d1) -> (0, 0)>
module attributes {stable_mosaic.version = 14 : i64} {
  func.func @_sc_body(%arg0: i32, %arg1: i32, %arg2: memref<64xf32, #tpu.memory_space<hbm>>, %arg3: memref<64x272xi32, #tpu.memory_space<hbm>>, %arg4: memref<64xf32, #tpu.memory_space<vmem>>, %arg5: memref<272xi32, #tpu.memory_space<vmem>>) attributes {dimension_semantics = [#tpu.dimension_semantics<core_parallel>, #tpu.dimension_semantics<subcore_parallel>], iteration_bounds = array<i64: 2, 16>, scalar_prefetch = 0 : i64, scratch_operands = 2 : i64, tpu.core_type = #tpu.core_type<sc_vector_subcore>, window_params = [{transform_indices = #map}, {transform_indices = #map1}]} {
    %mul3A = arith.constant 2 : i32
    %mul3A_0 = arith.muli %arg1, %mul3A : i32
    %add3A = arith.addi %mul3A_0, %arg0 : i32
    "tpu.region"() ({
      %run_scoped3A = tpu.sem_alloc : memref<!tpu.dma_semaphore, #tpu.memory_space<semaphore_mem>>
      tpu.enqueue_dma source(%arg2 : memref<64xf32, #tpu.memory_space<hbm>>) target(%arg4 : memref<64xf32, #tpu.memory_space<vmem>>) target_semaphore(%run_scoped3A : memref<!tpu.dma_semaphore, #tpu.memory_space<semaphore_mem>>)
      tpu.wait_dma2 semaphore(%run_scoped3A : memref<!tpu.dma_semaphore, #tpu.memory_space<semaphore_mem>>) src(%arg2 : memref<64xf32, #tpu.memory_space<hbm>>) dst(%arg4 : memref<64xf32, #tpu.memory_space<vmem>>)
      tpu.yield
    }) : () -> ()
    %jit3A = arith.constant 8 : i32
    %div3A = arith.divsi %add3A, %jit3A : i32
    %sign3A = arith.constant 0 : i32
    %sign3A_1 = arith.cmpi sgt, %add3A, %sign3A : i32
    %sign3A_2 = arith.extui %sign3A_1 : i1 to i32
    %sign3A_3 = arith.constant 0 : i32
    %sign3A_4 = arith.cmpi slt, %add3A, %sign3A_3 : i32
    %sign3A_5 = arith.extui %sign3A_4 : i1 to i32
    %sign3A_6 = arith.subi %sign3A_2, %sign3A_5 : i32
    %sign3A_7 = arith.constant 0 : i32
    %sign3A_8 = arith.cmpi sgt, %jit3A, %sign3A_7 : i32
    %sign3A_9 = arith.extui %sign3A_8 : i1 to i32
    %sign3A_10 = arith.constant 0 : i32
    %sign3A_11 = arith.cmpi slt, %jit3A, %sign3A_10 : i32
    %sign3A_12 = arith.extui %sign3A_11 : i1 to i32
    %sign3A_13 = arith.subi %sign3A_9, %sign3A_12 : i32
    %ne3A = arith.cmpi ne, %sign3A_6, %sign3A_13 : i32
    %rem3A = arith.remsi %add3A, %jit3A : i32
    %ne3A_14 = arith.constant 0 : i32
    %ne3A_15 = arith.cmpi ne, %rem3A, %ne3A_14 : i32
    %and3A = arith.andi %ne3A, %ne3A_15 : i1
    %sub3A = arith.constant 1 : i32
    %sub3A_16 = arith.subi %div3A, %sub3A : i32
    %select_n3A = arith.select %and3A, %sub3A_16, %div3A : i32
    %mul3A_17 = arith.constant 16 : i32
    %mul3A_18 = arith.muli %select_n3A, %mul3A_17 : i32
    %get3A = arith.index_cast %mul3A_18 : i32 to index
    %get3A_19 = tpu.vector_load %arg4[%get3A] {strides = array<i32>} : memref<64xf32, #tpu.memory_space<vmem>>, vector<16xf32>,
    %mul3A_20 = arith.constant 2 : i32
    %mul3A_21 = arith.muli %add3A, %mul3A_20 : i32
    %add3A_22 = arith.constant 0 : i32
    %add3A_23 = arith.addi %mul3A_21, %add3A_22 : i32
    %sub3A_24 = arith.subi %add3A_23, %mul3A_18 : i32
    %broadcast_in_dim3A = vector.broadcast %sub3A_24 : i32 to vector<16x1xi32>
    %gather3A = vector.shape_cast %broadcast_in_dim3A : vector<16x1xi32> to vector<16xi32>
    %gather3A_25 = tpu.dynamic_gather %get3A_19[%gather3A] in [0] : vector<16xf32>, vector<16xi32> -> vector<16xf32>
    %mul3A_26 = arith.mulf %gather3A_25, %gather3A_25 : vector<16xf32>
    %div3A_27 = arith.constant 2.500000e-01 : f32
    %div3A_28 = vector.broadcast %div3A_27 : f32 to vector<16xf32>
    %div3A_29 = arith.divf %div3A_28, %mul3A_26 : vector<16xf32>
    %bitcast3A = vector.bitcast %div3A_29 : vector<16xf32> to vector<16xi32>
    %shift_right_arithmetic3A = arith.constant 1 : i32
    %shift_right_arithmetic3A_30 = vector.broadcast %shift_right_arithmetic3A : i32 to vector<16xi32>
    %shift_right_arithmetic3A_31 = arith.shrsi %bitcast3A, %shift_right_arithmetic3A_30 : vector<16xi32>
    %sub3A_32 = arith.constant 1597463007 : i32
    %sub3A_33 = vector.broadcast %sub3A_32 : i32 to vector<16xi32>
    %sub3A_34 = arith.subi %sub3A_33, %shift_right_arithmetic3A_31 : vector<16xi32>
    %bitcast3A_35 = vector.bitcast %sub3A_34 : vector<16xi32> to vector<16xf32>
    %mul3A_36 = arith.constant 5.000000e-01 : f32
    %mul3A_37 = vector.broadcast %mul3A_36 : f32 to vector<16xf32>
    %mul3A_38 = arith.mulf %mul3A_37, %div3A_29 : vector<16xf32>
    %mul3A_39 = arith.mulf %mul3A_38, %bitcast3A_35 : vector<16xf32>
    %mul3A_40 = arith.mulf %mul3A_39, %bitcast3A_35 : vector<16xf32>
    %sub3A_41 = arith.constant 1.500000e+00 : f32
    %sub3A_42 = vector.broadcast %sub3A_41 : f32 to vector<16xf32>
    %sub3A_43 = arith.subf %sub3A_42, %mul3A_40 : vector<16xf32>
    %mul3A_44 = arith.mulf %bitcast3A_35, %sub3A_43 : vector<16xf32>
    %mul3A_45 = arith.constant 5.000000e-01 : f32
    %mul3A_46 = vector.broadcast %mul3A_45 : f32 to vector<16xf32>
    %mul3A_47 = arith.mulf %mul3A_46, %div3A_29 : vector<16xf32>
    %mul3A_48 = arith.mulf %mul3A_47, %mul3A_44 : vector<16xf32>
    %mul3A_49 = arith.mulf %mul3A_48, %mul3A_44 : vector<16xf32>
    %sub3A_50 = arith.constant 1.500000e+00 : f32
    %sub3A_51 = vector.broadcast %sub3A_50 : f32 to vector<16xf32>
    %sub3A_52 = arith.subf %sub3A_51, %mul3A_49 : vector<16xf32>
    %mul3A_53 = arith.mulf %mul3A_44, %sub3A_52 : vector<16xf32>
    %mul3A_54 = arith.constant 5.000000e-01 : f32
    %mul3A_55 = vector.broadcast %mul3A_54 : f32 to vector<16xf32>
    %mul3A_56 = arith.mulf %mul3A_55, %div3A_29 : vector<16xf32>
    %mul3A_57 = arith.mulf %mul3A_56, %mul3A_53 : vector<16xf32>
    %mul3A_58 = arith.mulf %mul3A_57, %mul3A_53 : vector<16xf32>
    %sub3A_59 = arith.constant 1.500000e+00 : f32
    %sub3A_60 = vector.broadcast %sub3A_59 : f32 to vector<16xf32>
    %sub3A_61 = arith.subf %sub3A_60, %mul3A_58 : vector<16xf32>
    %mul3A_62 = arith.mulf %mul3A_53, %sub3A_61 : vector<16xf32>
    %mul3A_63 = arith.mulf %div3A_29, %mul3A_62 : vector<16xf32>
    %bitcast3A_64 = vector.bitcast %mul3A_63 : vector<16xf32> to vector<16xi32>
    %shift_right_arithmetic3A_65 = arith.constant 23 : i32
    %shift_right_arithmetic3A_66 = vector.broadcast %shift_right_arithmetic3A_65 : i32 to vector<16xi32>
    %shift_right_arithmetic3A_67 = arith.shrsi %bitcast3A_64, %shift_right_arithmetic3A_66 : vector<16xi32>
    %sub3A_68 = arith.constant 127 : i32
    %sub3A_69 = vector.broadcast %sub3A_68 : i32 to vector<16xi32>
    %sub3A_70 = arith.subi %shift_right_arithmetic3A_67, %sub3A_69 : vector<16xi32>
    %and3A_71 = arith.constant 8388607 : i32
    %and3A_72 = vector.broadcast %and3A_71 : i32 to vector<16xi32>
    %and3A_73 = arith.andi %bitcast3A_64, %and3A_72 : vector<16xi32>
    %or3A = arith.constant 1065353216 : i32
    %or3A_74 = vector.broadcast %or3A : i32 to vector<16xi32>
    %or3A_75 = arith.ori %and3A_73, %or3A_74 : vector<16xi32>
    %bitcast3A_76 = vector.bitcast %or3A_75 : vector<16xi32> to vector<16xf32>
    %ge3A = arith.constant 1.41421354 : f32
    %ge3A_77 = vector.broadcast %ge3A : f32 to vector<16xf32>
    %ge3A_78 = arith.cmpf oge, %bitcast3A_76, %ge3A_77 : vector<16xf32>
    %mul3A_79 = arith.constant 5.000000e-01 : f32
    %mul3A_80 = vector.broadcast %mul3A_79 : f32 to vector<16xf32>
    %mul3A_81 = arith.mulf %mul3A_80, %bitcast3A_76 : vector<16xf32>
    %select_n3A_82 = arith.select %ge3A_78, %mul3A_81, %bitcast3A_76 : vector<16xi1>, vector<16xf32>
    %convert_element_type3A = arith.sitofp %sub3A_70 : vector<16xi32> to vector<16xf32>
    %jit3A_83 = arith.constant 1.000000e+00 : f32
    %jit3A_84 = arith.constant 0.000000e+00 : f32
    %broadcast_in_dim3A_85 = vector.broadcast %jit3A_83 : f32 to vector<16xf32>
    %broadcast_in_dim3A_86 = vector.broadcast %jit3A_84 : f32 to vector<16xf32>
    %select_n3A_87 = arith.select %ge3A_78, %broadcast_in_dim3A_85, %broadcast_in_dim3A_86 : vector<16xi1>, vector<16xf32>
    %add3A_88 = arith.addf %convert_element_type3A, %select_n3A_87 : vector<16xf32>
    %sub3A_89 = arith.constant 1.000000e+00 : f32
    %sub3A_90 = vector.broadcast %sub3A_89 : f32 to vector<16xf32>
    %sub3A_91 = arith.subf %select_n3A_82, %sub3A_90 : vector<16xf32>
    %add3A_92 = arith.constant 1.000000e+00 : f32
    %add3A_93 = vector.broadcast %add3A_92 : f32 to vector<16xf32>
    %add3A_94 = arith.addf %select_n3A_82, %add3A_93 : vector<16xf32>
    %div3A_95 = arith.divf %sub3A_91, %add3A_94 : vector<16xf32>
    %mul3A_96 = arith.mulf %div3A_95, %div3A_95 : vector<16xf32>
    %mul3A_97 = arith.constant 0.111111112 : f32
    %mul3A_98 = vector.broadcast %mul3A_97 : f32 to vector<16xf32>
    %mul3A_99 = arith.mulf %mul3A_96, %mul3A_98 : vector<16xf32>
    %add3A_100 = arith.constant 0.142857149 : f32
    %add3A_101 = vector.broadcast %add3A_100 : f32 to vector<16xf32>
    %add3A_102 = arith.addf %add3A_101, %mul3A_99 : vector<16xf32>
    %mul3A_103 = arith.mulf %mul3A_96, %add3A_102 : vector<16xf32>
    %add3A_104 = arith.constant 2.000000e-01 : f32
    %add3A_105 = vector.broadcast %add3A_104 : f32 to vector<16xf32>
    %add3A_106 = arith.addf %add3A_105, %mul3A_103 : vector<16xf32>
    %mul3A_107 = arith.mulf %mul3A_96, %add3A_106 : vector<16xf32>
    %add3A_108 = arith.constant 0.333333343 : f32
    %add3A_109 = vector.broadcast %add3A_108 : f32 to vector<16xf32>
    %add3A_110 = arith.addf %add3A_109, %mul3A_107 : vector<16xf32>
    %mul3A_111 = arith.mulf %mul3A_96, %add3A_110 : vector<16xf32>
    %add3A_112 = arith.constant 1.000000e+00 : f32
    %add3A_113 = vector.broadcast %add3A_112 : f32 to vector<16xf32>
    %add3A_114 = arith.addf %add3A_113, %mul3A_111 : vector<16xf32>
    %mul3A_115 = arith.constant 2.000000e+00 : f32
    %mul3A_116 = vector.broadcast %mul3A_115 : f32 to vector<16xf32>
    %mul3A_117 = arith.mulf %mul3A_116, %div3A_95 : vector<16xf32>
    %mul3A_118 = arith.mulf %mul3A_117, %add3A_114 : vector<16xf32>
    %mul3A_119 = arith.constant 0.693147182 : f32
    %mul3A_120 = vector.broadcast %mul3A_119 : f32 to vector<16xf32>
    %mul3A_121 = arith.mulf %add3A_88, %mul3A_120 : vector<16xf32>
    %add3A_122 = arith.addf %mul3A_118, %mul3A_121 : vector<16xf32>
    %mul3A_123 = arith.mulf %div3A_29, %add3A_122 : vector<16xf32>
    %mul3A_124 = arith.constant 5.000000e-01 : f32
    %mul3A_125 = vector.broadcast %mul3A_124 : f32 to vector<16xf32>
    %mul3A_126 = arith.mulf %mul3A_125, %mul3A_123 : vector<16xf32>
    %mul3A_127 = arith.constant 2.000000e+00 : f32
    %mul3A_128 = vector.broadcast %mul3A_127 : f32 to vector<16xf32>
    %mul3A_129 = arith.mulf %mul3A_128, %gather3A_25 : vector<16xf32>
    %iota3A = tpu.iota {dimensions = array<i32: 0>} : vector<16xi32>
    %add3A_130 = arith.constant 0 : i32
    %add3A_131 = vector.broadcast %add3A_130 : i32 to vector<16xi32>
    %add3A_132 = arith.addi %iota3A, %add3A_131 : vector<16xi32>
    %convert_element_type3A_133 = arith.sitofp %add3A_132 : vector<16xi32> to vector<16xf32>
    %add3A_134 = arith.addf %convert_element_type3A_133, %gather3A_25 : vector<16xf32>
    %convert_element_type3A_135 = arith.fptosi %add3A_134 : vector<16xf32> to vector<16xi32>
    %swap3A = arith.constant 0 : index
    %swap3A_136 = tpu.vector_load %arg5[%swap3A] {strides = array<i32>} : memref<272xi32, #tpu.memory_space<vmem>>, vector<16xi32>,
    tpu.vector_store %arg5[%swap3A], %convert_element_type3A_135 {strides = array<i32>} : memref<272xi32, #tpu.memory_space<vmem>>, vector<16xi32>,
    %iota3A_137 = tpu.iota {dimensions = array<i32: 0>} : vector<16xi32>
    %add3A_138 = arith.constant 16 : i32
    %add3A_139 = vector.broadcast %add3A_138 : i32 to vector<16xi32>
    %add3A_140 = arith.addi %iota3A_137, %add3A_139 : vector<16xi32>
    %convert_element_type3A_141 = arith.sitofp %add3A_140 : vector<16xi32> to vector<16xf32>
    %add3A_142 = arith.addf %convert_element_type3A_141, %gather3A_25 : vector<16xf32>
    %convert_element_type3A_143 = arith.fptosi %add3A_142 : vector<16xf32> to vector<16xi32>
    %swap3A_144 = arith.constant 16 : index
    %swap3A_145 = tpu.vector_load %arg5[%swap3A_144] {strides = array<i32>} : memref<272xi32, #tpu.memory_space<vmem>>, vector<16xi32>,
    tpu.vector_store %arg5[%swap3A_144], %convert_element_type3A_143 {strides = array<i32>} : memref<272xi32, #tpu.memory_space<vmem>>, vector<16xi32>,
    %iota3A_146 = tpu.iota {dimensions = array<i32: 0>} : vector<16xi32>
    %add3A_147 = arith.constant 32 : i32
    %add3A_148 = vector.broadcast %add3A_147 : i32 to vector<16xi32>
    %add3A_149 = arith.addi %iota3A_146, %add3A_148 : vector<16xi32>
    %convert_element_type3A_150 = arith.sitofp %add3A_149 : vector<16xi32> to vector<16xf32>
    %add3A_151 = arith.addf %convert_element_type3A_150, %gather3A_25 : vector<16xf32>
    %convert_element_type3A_152 = arith.fptosi %add3A_151 : vector<16xf32> to vector<16xi32>
    %swap3A_153 = arith.constant 32 : index
    %swap3A_154 = tpu.vector_load %arg5[%swap3A_153] {strides = array<i32>} : memref<272xi32, #tpu.memory_space<vmem>>, vector<16xi32>,
    tpu.vector_store %arg5[%swap3A_153], %convert_element_type3A_152 {strides = array<i32>} : memref<272xi32, #tpu.memory_space<vmem>>, vector<16xi32>,
    %iota3A_155 = tpu.iota {dimensions = array<i32: 0>} : vector<16xi32>
    %add3A_156 = arith.constant 48 : i32
    %add3A_157 = vector.broadcast %add3A_156 : i32 to vector<16xi32>
    %add3A_158 = arith.addi %iota3A_155, %add3A_157 : vector<16xi32>
    %convert_element_type3A_159 = arith.sitofp %add3A_158 : vector<16xi32> to vector<16xf32>
    %add3A_160 = arith.addf %convert_element_type3A_159, %gather3A_25 : vector<16xf32>
    %convert_element_type3A_161 = arith.fptosi %add3A_160 : vector<16xf32> to vector<16xi32>
    %swap3A_162 = arith.constant 48 : index
    %swap3A_163 = tpu.vector_load %arg5[%swap3A_162] {strides = array<i32>} : memref<272xi32, #tpu.memory_space<vmem>>, vector<16xi32>,
    tpu.vector_store %arg5[%swap3A_162], %convert_element_type3A_161 {strides = array<i32>} : memref<272xi32, #tpu.memory_space<vmem>>, vector<16xi32>,
    %iota3A_164 = tpu.iota {dimensions = array<i32: 0>} : vector<16xi32>
    %add3A_165 = arith.constant 64 : i32
    %add3A_166 = vector.broadcast %add3A_165 : i32 to vector<16xi32>
    %add3A_167 = arith.addi %iota3A_164, %add3A_166 : vector<16xi32>
    %convert_element_type3A_168 = arith.sitofp %add3A_167 : vector<16xi32> to vector<16xf32>
    %add3A_169 = arith.addf %convert_element_type3A_168, %gather3A_25 : vector<16xf32>
    %convert_element_type3A_170 = arith.fptosi %add3A_169 : vector<16xf32> to vector<16xi32>
    %swap3A_171 = arith.constant 64 : index
    %swap3A_172 = tpu.vector_load %arg5[%swap3A_171] {strides = array<i32>} : memref<272xi32, #tpu.memory_space<vmem>>, vector<16xi32>,
    tpu.vector_store %arg5[%swap3A_171], %convert_element_type3A_170 {strides = array<i32>} : memref<272xi32, #tpu.memory_space<vmem>>, vector<16xi32>,
    %iota3A_173 = tpu.iota {dimensions = array<i32: 0>} : vector<16xi32>
    %add3A_174 = arith.constant 80 : i32
    %add3A_175 = vector.broadcast %add3A_174 : i32 to vector<16xi32>
    %add3A_176 = arith.addi %iota3A_173, %add3A_175 : vector<16xi32>
    %convert_element_type3A_177 = arith.sitofp %add3A_176 : vector<16xi32> to vector<16xf32>
    %add3A_178 = arith.addf %convert_element_type3A_177, %gather3A_25 : vector<16xf32>
    %convert_element_type3A_179 = arith.fptosi %add3A_178 : vector<16xf32> to vector<16xi32>
    %swap3A_180 = arith.constant 80 : index
    %swap3A_181 = tpu.vector_load %arg5[%swap3A_180] {strides = array<i32>} : memref<272xi32, #tpu.memory_space<vmem>>, vector<16xi32>,
    tpu.vector_store %arg5[%swap3A_180], %convert_element_type3A_179 {strides = array<i32>} : memref<272xi32, #tpu.memory_space<vmem>>, vector<16xi32>,
    %iota3A_182 = tpu.iota {dimensions = array<i32: 0>} : vector<16xi32>
    %add3A_183 = arith.constant 96 : i32
    %add3A_184 = vector.broadcast %add3A_183 : i32 to vector<16xi32>
    %add3A_185 = arith.addi %iota3A_182, %add3A_184 : vector<16xi32>
    %convert_element_type3A_186 = arith.sitofp %add3A_185 : vector<16xi32> to vector<16xf32>
    %add3A_187 = arith.addf %convert_element_type3A_186, %gather3A_25 : vector<16xf32>
    %convert_element_type3A_188 = arith.fptosi %add3A_187 : vector<16xf32> to vector<16xi32>
    %swap3A_189 = arith.constant 96 : index
    %swap3A_190 = tpu.vector_load %arg5[%swap3A_189] {strides = array<i32>} : memref<272xi32, #tpu.memory_space<vmem>>, vector<16xi32>,
    tpu.vector_store %arg5[%swap3A_189], %convert_element_type3A_188 {strides = array<i32>} : memref<272xi32, #tpu.memory_space<vmem>>, vector<16xi32>,
    %iota3A_191 = tpu.iota {dimensions = array<i32: 0>} : vector<16xi32>
    %add3A_192 = arith.constant 112 : i32
    %add3A_193 = vector.broadcast %add3A_192 : i32 to vector<16xi32>
    %add3A_194 = arith.addi %iota3A_191, %add3A_193 : vector<16xi32>
    %convert_element_type3A_195 = arith.sitofp %add3A_194 : vector<16xi32> to vector<16xf32>
    %add3A_196 = arith.addf %convert_element_type3A_195, %gather3A_25 : vector<16xf32>
    %convert_element_type3A_197 = arith.fptosi %add3A_196 : vector<16xf32> to vector<16xi32>
    %swap3A_198 = arith.constant 112 : index
    %swap3A_199 = tpu.vector_load %arg5[%swap3A_198] {strides = array<i32>} : memref<272xi32, #tpu.memory_space<vmem>>, vector<16xi32>,
    tpu.vector_store %arg5[%swap3A_198], %convert_element_type3A_197 {strides = array<i32>} : memref<272xi32, #tpu.memory_space<vmem>>, vector<16xi32>,
    %iota3A_200 = tpu.iota {dimensions = array<i32: 0>} : vector<16xi32>
    %add3A_201 = arith.constant 128 : i32
    %add3A_202 = vector.broadcast %add3A_201 : i32 to vector<16xi32>
    %add3A_203 = arith.addi %iota3A_200, %add3A_202 : vector<16xi32>
    %convert_element_type3A_204 = arith.sitofp %add3A_203 : vector<16xi32> to vector<16xf32>
    %add3A_205 = arith.addf %convert_element_type3A_204, %gather3A_25 : vector<16xf32>
    %convert_element_type3A_206 = arith.fptosi %add3A_205 : vector<16xf32> to vector<16xi32>
    %swap3A_207 = arith.constant 128 : index
    %swap3A_208 = tpu.vector_load %arg5[%swap3A_207] {strides = array<i32>} : memref<272xi32, #tpu.memory_space<vmem>>, vector<16xi32>,
    tpu.vector_store %arg5[%swap3A_207], %convert_element_type3A_206 {strides = array<i32>} : memref<272xi32, #tpu.memory_space<vmem>>, vector<16xi32>,
    %iota3A_209 = tpu.iota {dimensions = array<i32: 0>} : vector<16xi32>
    %add3A_210 = arith.constant 144 : i32
    %add3A_211 = vector.broadcast %add3A_210 : i32 to vector<16xi32>
    %add3A_212 = arith.addi %iota3A_209, %add3A_211 : vector<16xi32>
    %convert_element_type3A_213 = arith.sitofp %add3A_212 : vector<16xi32> to vector<16xf32>
    %add3A_214 = arith.addf %convert_element_type3A_213, %gather3A_25 : vector<16xf32>
    %convert_element_type3A_215 = arith.fptosi %add3A_214 : vector<16xf32> to vector<16xi32>
    %swap3A_216 = arith.constant 144 : index
    %swap3A_217 = tpu.vector_load %arg5[%swap3A_216] {strides = array<i32>} : memref<272xi32, #tpu.memory_space<vmem>>, vector<16xi32>,
    tpu.vector_store %arg5[%swap3A_216], %convert_element_type3A_215 {strides = array<i32>} : memref<272xi32, #tpu.memory_space<vmem>>, vector<16xi32>,
    %iota3A_218 = tpu.iota {dimensions = array<i32: 0>} : vector<16xi32>
    %add3A_219 = arith.constant 160 : i32
    %add3A_220 = vector.broadcast %add3A_219 : i32 to vector<16xi32>
    %add3A_221 = arith.addi %iota3A_218, %add3A_220 : vector<16xi32>
    %convert_element_type3A_222 = arith.sitofp %add3A_221 : vector<16xi32> to vector<16xf32>
    %add3A_223 = arith.addf %convert_element_type3A_222, %gather3A_25 : vector<16xf32>
    %convert_element_type3A_224 = arith.fptosi %add3A_223 : vector<16xf32> to vector<16xi32>
    %swap3A_225 = arith.constant 160 : index
    %swap3A_226 = tpu.vector_load %arg5[%swap3A_225] {strides = array<i32>} : memref<272xi32, #tpu.memory_space<vmem>>, vector<16xi32>,
    tpu.vector_store %arg5[%swap3A_225], %convert_element_type3A_224 {strides = array<i32>} : memref<272xi32, #tpu.memory_space<vmem>>, vector<16xi32>,
    %iota3A_227 = tpu.iota {dimensions = array<i32: 0>} : vector<16xi32>
    %add3A_228 = arith.constant 176 : i32
    %add3A_229 = vector.broadcast %add3A_228 : i32 to vector<16xi32>
    %add3A_230 = arith.addi %iota3A_227, %add3A_229 : vector<16xi32>
    %convert_element_type3A_231 = arith.sitofp %add3A_230 : vector<16xi32> to vector<16xf32>
    %add3A_232 = arith.addf %convert_element_type3A_231, %gather3A_25 : vector<16xf32>
    %convert_element_type3A_233 = arith.fptosi %add3A_232 : vector<16xf32> to vector<16xi32>
    %swap3A_234 = arith.constant 176 : index
    %swap3A_235 = tpu.vector_load %arg5[%swap3A_234] {strides = array<i32>} : memref<272xi32, #tpu.memory_space<vmem>>, vector<16xi32>,
    tpu.vector_store %arg5[%swap3A_234], %convert_element_type3A_233 {strides = array<i32>} : memref<272xi32, #tpu.memory_space<vmem>>, vector<16xi32>,
    %iota3A_236 = tpu.iota {dimensions = array<i32: 0>} : vector<16xi32>
    %add3A_237 = arith.constant 192 : i32
    %add3A_238 = vector.broadcast %add3A_237 : i32 to vector<16xi32>
    %add3A_239 = arith.addi %iota3A_236, %add3A_238 : vector<16xi32>
    %convert_element_type3A_240 = arith.sitofp %add3A_239 : vector<16xi32> to vector<16xf32>
    %add3A_241 = arith.addf %convert_element_type3A_240, %gather3A_25 : vector<16xf32>
    %convert_element_type3A_242 = arith.fptosi %add3A_241 : vector<16xf32> to vector<16xi32>
    %swap3A_243 = arith.constant 192 : index
    %swap3A_244 = tpu.vector_load %arg5[%swap3A_243] {strides = array<i32>} : memref<272xi32, #tpu.memory_space<vmem>>, vector<16xi32>,
    tpu.vector_store %arg5[%swap3A_243], %convert_element_type3A_242 {strides = array<i32>} : memref<272xi32, #tpu.memory_space<vmem>>, vector<16xi32>,
    %iota3A_245 = tpu.iota {dimensions = array<i32: 0>} : vector<16xi32>
    %add3A_246 = arith.constant 208 : i32
    %add3A_247 = vector.broadcast %add3A_246 : i32 to vector<16xi32>
    %add3A_248 = arith.addi %iota3A_245, %add3A_247 : vector<16xi32>
    %convert_element_type3A_249 = arith.sitofp %add3A_248 : vector<16xi32> to vector<16xf32>
    %add3A_250 = arith.addf %convert_element_type3A_249, %gather3A_25 : vector<16xf32>
    %convert_element_type3A_251 = arith.fptosi %add3A_250 : vector<16xf32> to vector<16xi32>
    %swap3A_252 = arith.constant 208 : index
    %swap3A_253 = tpu.vector_load %arg5[%swap3A_252] {strides = array<i32>} : memref<272xi32, #tpu.memory_space<vmem>>, vector<16xi32>,
    tpu.vector_store %arg5[%swap3A_252], %convert_element_type3A_251 {strides = array<i32>} : memref<272xi32, #tpu.memory_space<vmem>>, vector<16xi32>,
    %iota3A_254 = tpu.iota {dimensions = array<i32: 0>} : vector<16xi32>
    %add3A_255 = arith.constant 224 : i32
    %add3A_256 = vector.broadcast %add3A_255 : i32 to vector<16xi32>
    %add3A_257 = arith.addi %iota3A_254, %add3A_256 : vector<16xi32>
    %convert_element_type3A_258 = arith.sitofp %add3A_257 : vector<16xi32> to vector<16xf32>
    %add3A_259 = arith.addf %convert_element_type3A_258, %gather3A_25 : vector<16xf32>
    %convert_element_type3A_260 = arith.fptosi %add3A_259 : vector<16xf32> to vector<16xi32>
    %swap3A_261 = arith.constant 224 : index
    %swap3A_262 = tpu.vector_load %arg5[%swap3A_261] {strides = array<i32>} : memref<272xi32, #tpu.memory_space<vmem>>, vector<16xi32>,
    tpu.vector_store %arg5[%swap3A_261], %convert_element_type3A_260 {strides = array<i32>} : memref<272xi32, #tpu.memory_space<vmem>>, vector<16xi32>,
    %iota3A_263 = tpu.iota {dimensions = array<i32: 0>} : vector<16xi32>
    %add3A_264 = arith.constant 240 : i32
    %add3A_265 = vector.broadcast %add3A_264 : i32 to vector<16xi32>
    %add3A_266 = arith.addi %iota3A_263, %add3A_265 : vector<16xi32>
    %convert_element_type3A_267 = arith.sitofp %add3A_266 : vector<16xi32> to vector<16xf32>
    %add3A_268 = arith.addf %convert_element_type3A_267, %gather3A_25 : vector<16xf32>
    %convert_element_type3A_269 = arith.fptosi %add3A_268 : vector<16xf32> to vector<16xi32>
    %swap3A_270 = arith.constant 240 : index
    %swap3A_271 = tpu.vector_load %arg5[%swap3A_270] {strides = array<i32>} : memref<272xi32, #tpu.memory_space<vmem>>, vector<16xi32>,
    tpu.vector_store %arg5[%swap3A_270], %convert_element_type3A_269 {strides = array<i32>} : memref<272xi32, #tpu.memory_space<vmem>>, vector<16xi32>,
    %iota3A_272 = tpu.iota {dimensions = array<i32: 0>} : vector<16xi32>
    %add3A_273 = arith.constant 256 : i32
    %add3A_274 = vector.broadcast %add3A_273 : i32 to vector<16xi32>
    %add3A_275 = arith.addi %iota3A_272, %add3A_274 : vector<16xi32>
    %convert_element_type3A_276 = arith.sitofp %add3A_275 : vector<16xi32> to vector<16xf32>
    %add3A_277 = arith.addf %convert_element_type3A_276, %gather3A_25 : vector<16xf32>
    %convert_element_type3A_278 = arith.fptosi %add3A_277 : vector<16xf32> to vector<16xi32>
    %swap3A_279 = arith.constant 256 : index
    %swap3A_280 = tpu.vector_load %arg5[%swap3A_279] {strides = array<i32>} : memref<272xi32, #tpu.memory_space<vmem>>, vector<16xi32>,
    tpu.vector_store %arg5[%swap3A_279], %convert_element_type3A_278 {strides = array<i32>} : memref<272xi32, #tpu.memory_space<vmem>>, vector<16xi32>,
    "tpu.region"() ({
      %run_scoped3A = tpu.sem_alloc : memref<!tpu.dma_semaphore, #tpu.memory_space<semaphore_mem>>
      %dma_start3A = arith.constant 0 : i32
      %dma_start3A_551 = tpu.memref_slice %arg3[%add3A_23, %dma_start3A] : memref<64x272xi32, #tpu.memory_space<hbm>> -> memref<1x272xi32, #tpu.memory_space<hbm>>
      %dma_start3A_552 = tpu.memref_squeeze %dma_start3A_551 : memref<1x272xi32, #tpu.memory_space<hbm>> -> memref<272xi32, #tpu.memory_space<hbm>>
      %dma_start3A_553 = arith.constant 0 : i32
      %dma_start3A_554 = tpu.memref_slice %arg3[%add3A_23, %dma_start3A_553] : memref<64x272xi32, #tpu.memory_space<hbm>> -> memref<1x272xi32, #tpu.memory_space<hbm>>
      %dma_start3A_555 = tpu.memref_squeeze %dma_start3A_554 : memref<1x272xi32, #tpu.memory_space<hbm>> -> memref<272xi32, #tpu.memory_space<hbm>>
      tpu.enqueue_dma source(%arg5 : memref<272xi32, #tpu.memory_space<vmem>>) target(%dma_start3A_555 : memref<272xi32, #tpu.memory_space<hbm>>) target_semaphore(%run_scoped3A : memref<!tpu.dma_semaphore, #tpu.memory_space<semaphore_mem>>)
      %dma_wait3A = arith.constant 0 : i32
      %dma_wait3A_556 = tpu.memref_slice %arg3[%add3A_23, %dma_wait3A] : memref<64x272xi32, #tpu.memory_space<hbm>> -> memref<1x272xi32, #tpu.memory_space<hbm>>
      %dma_wait3A_557 = tpu.memref_squeeze %dma_wait3A_556 : memref<1x272xi32, #tpu.memory_space<hbm>> -> memref<272xi32, #tpu.memory_space<hbm>>
      %dma_wait3A_558 = arith.constant 0 : i32
      %dma_wait3A_559 = tpu.memref_slice %arg3[%add3A_23, %dma_wait3A_558] : memref<64x272xi32, #tpu.memory_space<hbm>> -> memref<1x272xi32, #tpu.memory_space<hbm>>
      %dma_wait3A_560 = tpu.memref_squeeze %dma_wait3A_559 : memref<1x272xi32, #tpu.memory_space<hbm>> -> memref<272xi32, #tpu.memory_space<hbm>>
      tpu.wait_dma2 semaphore(%run_scoped3A : memref<!tpu.dma_semaphore, #tpu.memory_space<semaphore_mem>>) src(%arg5 : memref<272xi32, #tpu.memory_space<vmem>>) dst(%dma_wait3A_560 : memref<272xi32, #tpu.memory_space<hbm>>)
      tpu.yield
    }) : () -> ()
    %mul3A_281 = arith.constant 2 : i32
    %mul3A_282 = arith.muli %add3A, %mul3A_281 : i32
    %add3A_283 = arith.constant 1 : i32
    %add3A_284 = arith.addi %mul3A_282, %add3A_283 : i32
    %sub3A_285 = arith.subi %add3A_284, %mul3A_18 : i32
    %broadcast_in_dim3A_286 = vector.broadcast %sub3A_285 : i32 to vector<16x1xi32>
    %gather3A_287 = vector.shape_cast %broadcast_in_dim3A_286 : vector<16x1xi32> to vector<16xi32>
    %gather3A_288 = tpu.dynamic_gather %get3A_19[%gather3A_287] in [0] : vector<16xf32>, vector<16xi32> -> vector<16xf32>
    %mul3A_289 = arith.mulf %gather3A_288, %gather3A_288 : vector<16xf32>
    %div3A_290 = arith.constant 2.500000e-01 : f32
    %div3A_291 = vector.broadcast %div3A_290 : f32 to vector<16xf32>
    %div3A_292 = arith.divf %div3A_291, %mul3A_289 : vector<16xf32>
    %bitcast3A_293 = vector.bitcast %div3A_292 : vector<16xf32> to vector<16xi32>
    %shift_right_arithmetic3A_294 = arith.constant 1 : i32
    %shift_right_arithmetic3A_295 = vector.broadcast %shift_right_arithmetic3A_294 : i32 to vector<16xi32>
    %shift_right_arithmetic3A_296 = arith.shrsi %bitcast3A_293, %shift_right_arithmetic3A_295 : vector<16xi32>
    %sub3A_297 = arith.constant 1597463007 : i32
    %sub3A_298 = vector.broadcast %sub3A_297 : i32 to vector<16xi32>
    %sub3A_299 = arith.subi %sub3A_298, %shift_right_arithmetic3A_296 : vector<16xi32>
    %bitcast3A_300 = vector.bitcast %sub3A_299 : vector<16xi32> to vector<16xf32>
    %mul3A_301 = arith.constant 5.000000e-01 : f32
    %mul3A_302 = vector.broadcast %mul3A_301 : f32 to vector<16xf32>
    %mul3A_303 = arith.mulf %mul3A_302, %div3A_292 : vector<16xf32>
    %mul3A_304 = arith.mulf %mul3A_303, %bitcast3A_300 : vector<16xf32>
    %mul3A_305 = arith.mulf %mul3A_304, %bitcast3A_300 : vector<16xf32>
    %sub3A_306 = arith.constant 1.500000e+00 : f32
    %sub3A_307 = vector.broadcast %sub3A_306 : f32 to vector<16xf32>
    %sub3A_308 = arith.subf %sub3A_307, %mul3A_305 : vector<16xf32>
    %mul3A_309 = arith.mulf %bitcast3A_300, %sub3A_308 : vector<16xf32>
    %mul3A_310 = arith.constant 5.000000e-01 : f32
    %mul3A_311 = vector.broadcast %mul3A_310 : f32 to vector<16xf32>
    %mul3A_312 = arith.mulf %mul3A_311, %div3A_292 : vector<16xf32>
    %mul3A_313 = arith.mulf %mul3A_312, %mul3A_309 : vector<16xf32>
    %mul3A_314 = arith.mulf %mul3A_313, %mul3A_309 : vector<16xf32>
    %sub3A_315 = arith.constant 1.500000e+00 : f32
    %sub3A_316 = vector.broadcast %sub3A_315 : f32 to vector<16xf32>
    %sub3A_317 = arith.subf %sub3A_316, %mul3A_314 : vector<16xf32>
    %mul3A_318 = arith.mulf %mul3A_309, %sub3A_317 : vector<16xf32>
    %mul3A_319 = arith.constant 5.000000e-01 : f32
    %mul3A_320 = vector.broadcast %mul3A_319 : f32 to vector<16xf32>
    %mul3A_321 = arith.mulf %mul3A_320, %div3A_292 : vector<16xf32>
    %mul3A_322 = arith.mulf %mul3A_321, %mul3A_318 : vector<16xf32>
    %mul3A_323 = arith.mulf %mul3A_322, %mul3A_318 : vector<16xf32>
    %sub3A_324 = arith.constant 1.500000e+00 : f32
    %sub3A_325 = vector.broadcast %sub3A_324 : f32 to vector<16xf32>
    %sub3A_326 = arith.subf %sub3A_325, %mul3A_323 : vector<16xf32>
    %mul3A_327 = arith.mulf %mul3A_318, %sub3A_326 : vector<16xf32>
    %mul3A_328 = arith.mulf %div3A_292, %mul3A_327 : vector<16xf32>
    %bitcast3A_329 = vector.bitcast %mul3A_328 : vector<16xf32> to vector<16xi32>
    %shift_right_arithmetic3A_330 = arith.constant 23 : i32
    %shift_right_arithmetic3A_331 = vector.broadcast %shift_right_arithmetic3A_330 : i32 to vector<16xi32>
    %shift_right_arithmetic3A_332 = arith.shrsi %bitcast3A_329, %shift_right_arithmetic3A_331 : vector<16xi32>
    %sub3A_333 = arith.constant 127 : i32
    %sub3A_334 = vector.broadcast %sub3A_333 : i32 to vector<16xi32>
    %sub3A_335 = arith.subi %shift_right_arithmetic3A_332, %sub3A_334 : vector<16xi32>
    %and3A_336 = arith.constant 8388607 : i32
    %and3A_337 = vector.broadcast %and3A_336 : i32 to vector<16xi32>
    %and3A_338 = arith.andi %bitcast3A_329, %and3A_337 : vector<16xi32>
    %or3A_339 = arith.constant 1065353216 : i32
    %or3A_340 = vector.broadcast %or3A_339 : i32 to vector<16xi32>
    %or3A_341 = arith.ori %and3A_338, %or3A_340 : vector<16xi32>
    %bitcast3A_342 = vector.bitcast %or3A_341 : vector<16xi32> to vector<16xf32>
    %ge3A_343 = arith.constant 1.41421354 : f32
    %ge3A_344 = vector.broadcast %ge3A_343 : f32 to vector<16xf32>
    %ge3A_345 = arith.cmpf oge, %bitcast3A_342, %ge3A_344 : vector<16xf32>
    %mul3A_346 = arith.constant 5.000000e-01 : f32
    %mul3A_347 = vector.broadcast %mul3A_346 : f32 to vector<16xf32>
    %mul3A_348 = arith.mulf %mul3A_347, %bitcast3A_342 : vector<16xf32>
    %select_n3A_349 = arith.select %ge3A_345, %mul3A_348, %bitcast3A_342 : vector<16xi1>, vector<16xf32>
    %convert_element_type3A_350 = arith.sitofp %sub3A_335 : vector<16xi32> to vector<16xf32>
    %jit3A_351 = arith.constant 1.000000e+00 : f32
    %jit3A_352 = arith.constant 0.000000e+00 : f32
    %broadcast_in_dim3A_353 = vector.broadcast %jit3A_351 : f32 to vector<16xf32>
    %broadcast_in_dim3A_354 = vector.broadcast %jit3A_352 : f32 to vector<16xf32>
    %select_n3A_355 = arith.select %ge3A_345, %broadcast_in_dim3A_353, %broadcast_in_dim3A_354 : vector<16xi1>, vector<16xf32>
    %add3A_356 = arith.addf %convert_element_type3A_350, %select_n3A_355 : vector<16xf32>
    %sub3A_357 = arith.constant 1.000000e+00 : f32
    %sub3A_358 = vector.broadcast %sub3A_357 : f32 to vector<16xf32>
    %sub3A_359 = arith.subf %select_n3A_349, %sub3A_358 : vector<16xf32>
    %add3A_360 = arith.constant 1.000000e+00 : f32
    %add3A_361 = vector.broadcast %add3A_360 : f32 to vector<16xf32>
    %add3A_362 = arith.addf %select_n3A_349, %add3A_361 : vector<16xf32>
    %div3A_363 = arith.divf %sub3A_359, %add3A_362 : vector<16xf32>
    %mul3A_364 = arith.mulf %div3A_363, %div3A_363 : vector<16xf32>
    %mul3A_365 = arith.constant 0.111111112 : f32
    %mul3A_366 = vector.broadcast %mul3A_365 : f32 to vector<16xf32>
    %mul3A_367 = arith.mulf %mul3A_364, %mul3A_366 : vector<16xf32>
    %add3A_368 = arith.constant 0.142857149 : f32
    %add3A_369 = vector.broadcast %add3A_368 : f32 to vector<16xf32>
    %add3A_370 = arith.addf %add3A_369, %mul3A_367 : vector<16xf32>
    %mul3A_371 = arith.mulf %mul3A_364, %add3A_370 : vector<16xf32>
    %add3A_372 = arith.constant 2.000000e-01 : f32
    %add3A_373 = vector.broadcast %add3A_372 : f32 to vector<16xf32>
    %add3A_374 = arith.addf %add3A_373, %mul3A_371 : vector<16xf32>
    %mul3A_375 = arith.mulf %mul3A_364, %add3A_374 : vector<16xf32>
    %add3A_376 = arith.constant 0.333333343 : f32
    %add3A_377 = vector.broadcast %add3A_376 : f32 to vector<16xf32>
    %add3A_378 = arith.addf %add3A_377, %mul3A_375 : vector<16xf32>
    %mul3A_379 = arith.mulf %mul3A_364, %add3A_378 : vector<16xf32>
    %add3A_380 = arith.constant 1.000000e+00 : f32
    %add3A_381 = vector.broadcast %add3A_380 : f32 to vector<16xf32>
    %add3A_382 = arith.addf %add3A_381, %mul3A_379 : vector<16xf32>
    %mul3A_383 = arith.constant 2.000000e+00 : f32
    %mul3A_384 = vector.broadcast %mul3A_383 : f32 to vector<16xf32>
    %mul3A_385 = arith.mulf %mul3A_384, %div3A_363 : vector<16xf32>
    %mul3A_386 = arith.mulf %mul3A_385, %add3A_382 : vector<16xf32>
    %mul3A_387 = arith.constant 0.693147182 : f32
    %mul3A_388 = vector.broadcast %mul3A_387 : f32 to vector<16xf32>
    %mul3A_389 = arith.mulf %add3A_356, %mul3A_388 : vector<16xf32>
    %add3A_390 = arith.addf %mul3A_386, %mul3A_389 : vector<16xf32>
    %mul3A_391 = arith.mulf %div3A_292, %add3A_390 : vector<16xf32>
    %mul3A_392 = arith.constant 5.000000e-01 : f32
    %mul3A_393 = vector.broadcast %mul3A_392 : f32 to vector<16xf32>
    %mul3A_394 = arith.mulf %mul3A_393, %mul3A_391 : vector<16xf32>
    %mul3A_395 = arith.constant 2.000000e+00 : f32
    %mul3A_396 = vector.broadcast %mul3A_395 : f32 to vector<16xf32>
    %mul3A_397 = arith.mulf %mul3A_396, %gather3A_288 : vector<16xf32>
    %iota3A_398 = tpu.iota {dimensions = array<i32: 0>} : vector<16xi32>
    %add3A_399 = arith.constant 0 : i32
    %add3A_400 = vector.broadcast %add3A_399 : i32 to vector<16xi32>
    %add3A_401 = arith.addi %iota3A_398, %add3A_400 : vector<16xi32>
    %convert_element_type3A_402 = arith.sitofp %add3A_401 : vector<16xi32> to vector<16xf32>
    %add3A_403 = arith.addf %convert_element_type3A_402, %gather3A_288 : vector<16xf32>
    %convert_element_type3A_404 = arith.fptosi %add3A_403 : vector<16xf32> to vector<16xi32>
    %swap3A_405 = arith.constant 0 : index
    %swap3A_406 = tpu.vector_load %arg5[%swap3A_405] {strides = array<i32>} : memref<272xi32, #tpu.memory_space<vmem>>, vector<16xi32>,
    tpu.vector_store %arg5[%swap3A_405], %convert_element_type3A_404 {strides = array<i32>} : memref<272xi32, #tpu.memory_space<vmem>>, vector<16xi32>,
    %iota3A_407 = tpu.iota {dimensions = array<i32: 0>} : vector<16xi32>
    %add3A_408 = arith.constant 16 : i32
    %add3A_409 = vector.broadcast %add3A_408 : i32 to vector<16xi32>
    %add3A_410 = arith.addi %iota3A_407, %add3A_409 : vector<16xi32>
    %convert_element_type3A_411 = arith.sitofp %add3A_410 : vector<16xi32> to vector<16xf32>
    %add3A_412 = arith.addf %convert_element_type3A_411, %gather3A_288 : vector<16xf32>
    %convert_element_type3A_413 = arith.fptosi %add3A_412 : vector<16xf32> to vector<16xi32>
    %swap3A_414 = arith.constant 16 : index
    %swap3A_415 = tpu.vector_load %arg5[%swap3A_414] {strides = array<i32>} : memref<272xi32, #tpu.memory_space<vmem>>, vector<16xi32>,
    tpu.vector_store %arg5[%swap3A_414], %convert_element_type3A_413 {strides = array<i32>} : memref<272xi32, #tpu.memory_space<vmem>>, vector<16xi32>,
    %iota3A_416 = tpu.iota {dimensions = array<i32: 0>} : vector<16xi32>
    %add3A_417 = arith.constant 32 : i32
    %add3A_418 = vector.broadcast %add3A_417 : i32 to vector<16xi32>
    %add3A_419 = arith.addi %iota3A_416, %add3A_418 : vector<16xi32>
    %convert_element_type3A_420 = arith.sitofp %add3A_419 : vector<16xi32> to vector<16xf32>
    %add3A_421 = arith.addf %convert_element_type3A_420, %gather3A_288 : vector<16xf32>
    %convert_element_type3A_422 = arith.fptosi %add3A_421 : vector<16xf32> to vector<16xi32>
    %swap3A_423 = arith.constant 32 : index
    %swap3A_424 = tpu.vector_load %arg5[%swap3A_423] {strides = array<i32>} : memref<272xi32, #tpu.memory_space<vmem>>, vector<16xi32>,
    tpu.vector_store %arg5[%swap3A_423], %convert_element_type3A_422 {strides = array<i32>} : memref<272xi32, #tpu.memory_space<vmem>>, vector<16xi32>,
    %iota3A_425 = tpu.iota {dimensions = array<i32: 0>} : vector<16xi32>
    %add3A_426 = arith.constant 48 : i32
    %add3A_427 = vector.broadcast %add3A_426 : i32 to vector<16xi32>
    %add3A_428 = arith.addi %iota3A_425, %add3A_427 : vector<16xi32>
    %convert_element_type3A_429 = arith.sitofp %add3A_428 : vector<16xi32> to vector<16xf32>
    %add3A_430 = arith.addf %convert_element_type3A_429, %gather3A_288 : vector<16xf32>
    %convert_element_type3A_431 = arith.fptosi %add3A_430 : vector<16xf32> to vector<16xi32>
    %swap3A_432 = arith.constant 48 : index
    %swap3A_433 = tpu.vector_load %arg5[%swap3A_432] {strides = array<i32>} : memref<272xi32, #tpu.memory_space<vmem>>, vector<16xi32>,
    tpu.vector_store %arg5[%swap3A_432], %convert_element_type3A_431 {strides = array<i32>} : memref<272xi32, #tpu.memory_space<vmem>>, vector<16xi32>,
    %iota3A_434 = tpu.iota {dimensions = array<i32: 0>} : vector<16xi32>
    %add3A_435 = arith.constant 64 : i32
    %add3A_436 = vector.broadcast %add3A_435 : i32 to vector<16xi32>
    %add3A_437 = arith.addi %iota3A_434, %add3A_436 : vector<16xi32>
    %convert_element_type3A_438 = arith.sitofp %add3A_437 : vector<16xi32> to vector<16xf32>
    %add3A_439 = arith.addf %convert_element_type3A_438, %gather3A_288 : vector<16xf32>
    %convert_element_type3A_440 = arith.fptosi %add3A_439 : vector<16xf32> to vector<16xi32>
    %swap3A_441 = arith.constant 64 : index
    %swap3A_442 = tpu.vector_load %arg5[%swap3A_441] {strides = array<i32>} : memref<272xi32, #tpu.memory_space<vmem>>, vector<16xi32>,
    tpu.vector_store %arg5[%swap3A_441], %convert_element_type3A_440 {strides = array<i32>} : memref<272xi32, #tpu.memory_space<vmem>>, vector<16xi32>,
    %iota3A_443 = tpu.iota {dimensions = array<i32: 0>} : vector<16xi32>
    %add3A_444 = arith.constant 80 : i32
    %add3A_445 = vector.broadcast %add3A_444 : i32 to vector<16xi32>
    %add3A_446 = arith.addi %iota3A_443, %add3A_445 : vector<16xi32>
    %convert_element_type3A_447 = arith.sitofp %add3A_446 : vector<16xi32> to vector<16xf32>
    %add3A_448 = arith.addf %convert_element_type3A_447, %gather3A_288 : vector<16xf32>
    %convert_element_type3A_449 = arith.fptosi %add3A_448 : vector<16xf32> to vector<16xi32>
    %swap3A_450 = arith.constant 80 : index
    %swap3A_451 = tpu.vector_load %arg5[%swap3A_450] {strides = array<i32>} : memref<272xi32, #tpu.memory_space<vmem>>, vector<16xi32>,
    tpu.vector_store %arg5[%swap3A_450], %convert_element_type3A_449 {strides = array<i32>} : memref<272xi32, #tpu.memory_space<vmem>>, vector<16xi32>,
    %iota3A_452 = tpu.iota {dimensions = array<i32: 0>} : vector<16xi32>
    %add3A_453 = arith.constant 96 : i32
    %add3A_454 = vector.broadcast %add3A_453 : i32 to vector<16xi32>
    %add3A_455 = arith.addi %iota3A_452, %add3A_454 : vector<16xi32>
    %convert_element_type3A_456 = arith.sitofp %add3A_455 : vector<16xi32> to vector<16xf32>
    %add3A_457 = arith.addf %convert_element_type3A_456, %gather3A_288 : vector<16xf32>
    %convert_element_type3A_458 = arith.fptosi %add3A_457 : vector<16xf32> to vector<16xi32>
    %swap3A_459 = arith.constant 96 : index
    %swap3A_460 = tpu.vector_load %arg5[%swap3A_459] {strides = array<i32>} : memref<272xi32, #tpu.memory_space<vmem>>, vector<16xi32>,
    tpu.vector_store %arg5[%swap3A_459], %convert_element_type3A_458 {strides = array<i32>} : memref<272xi32, #tpu.memory_space<vmem>>, vector<16xi32>,
    %iota3A_461 = tpu.iota {dimensions = array<i32: 0>} : vector<16xi32>
    %add3A_462 = arith.constant 112 : i32
    %add3A_463 = vector.broadcast %add3A_462 : i32 to vector<16xi32>
    %add3A_464 = arith.addi %iota3A_461, %add3A_463 : vector<16xi32>
    %convert_element_type3A_465 = arith.sitofp %add3A_464 : vector<16xi32> to vector<16xf32>
    %add3A_466 = arith.addf %convert_element_type3A_465, %gather3A_288 : vector<16xf32>
    %convert_element_type3A_467 = arith.fptosi %add3A_466 : vector<16xf32> to vector<16xi32>
    %swap3A_468 = arith.constant 112 : index
    %swap3A_469 = tpu.vector_load %arg5[%swap3A_468] {strides = array<i32>} : memref<272xi32, #tpu.memory_space<vmem>>, vector<16xi32>,
    tpu.vector_store %arg5[%swap3A_468], %convert_element_type3A_467 {strides = array<i32>} : memref<272xi32, #tpu.memory_space<vmem>>, vector<16xi32>,
    %iota3A_470 = tpu.iota {dimensions = array<i32: 0>} : vector<16xi32>
    %add3A_471 = arith.constant 128 : i32
    %add3A_472 = vector.broadcast %add3A_471 : i32 to vector<16xi32>
    %add3A_473 = arith.addi %iota3A_470, %add3A_472 : vector<16xi32>
    %convert_element_type3A_474 = arith.sitofp %add3A_473 : vector<16xi32> to vector<16xf32>
    %add3A_475 = arith.addf %convert_element_type3A_474, %gather3A_288 : vector<16xf32>
    %convert_element_type3A_476 = arith.fptosi %add3A_475 : vector<16xf32> to vector<16xi32>
    %swap3A_477 = arith.constant 128 : index
    %swap3A_478 = tpu.vector_load %arg5[%swap3A_477] {strides = array<i32>} : memref<272xi32, #tpu.memory_space<vmem>>, vector<16xi32>,
    tpu.vector_store %arg5[%swap3A_477], %convert_element_type3A_476 {strides = array<i32>} : memref<272xi32, #tpu.memory_space<vmem>>, vector<16xi32>,
    %iota3A_479 = tpu.iota {dimensions = array<i32: 0>} : vector<16xi32>
    %add3A_480 = arith.constant 144 : i32
    %add3A_481 = vector.broadcast %add3A_480 : i32 to vector<16xi32>
    %add3A_482 = arith.addi %iota3A_479, %add3A_481 : vector<16xi32>
    %convert_element_type3A_483 = arith.sitofp %add3A_482 : vector<16xi32> to vector<16xf32>
    %add3A_484 = arith.addf %convert_element_type3A_483, %gather3A_288 : vector<16xf32>
    %convert_element_type3A_485 = arith.fptosi %add3A_484 : vector<16xf32> to vector<16xi32>
    %swap3A_486 = arith.constant 144 : index
    %swap3A_487 = tpu.vector_load %arg5[%swap3A_486] {strides = array<i32>} : memref<272xi32, #tpu.memory_space<vmem>>, vector<16xi32>,
    tpu.vector_store %arg5[%swap3A_486], %convert_element_type3A_485 {strides = array<i32>} : memref<272xi32, #tpu.memory_space<vmem>>, vector<16xi32>,
    %iota3A_488 = tpu.iota {dimensions = array<i32: 0>} : vector<16xi32>
    %add3A_489 = arith.constant 160 : i32
    %add3A_490 = vector.broadcast %add3A_489 : i32 to vector<16xi32>
    %add3A_491 = arith.addi %iota3A_488, %add3A_490 : vector<16xi32>
    %convert_element_type3A_492 = arith.sitofp %add3A_491 : vector<16xi32> to vector<16xf32>
    %add3A_493 = arith.addf %convert_element_type3A_492, %gather3A_288 : vector<16xf32>
    %convert_element_type3A_494 = arith.fptosi %add3A_493 : vector<16xf32> to vector<16xi32>
    %swap3A_495 = arith.constant 160 : index
    %swap3A_496 = tpu.vector_load %arg5[%swap3A_495] {strides = array<i32>} : memref<272xi32, #tpu.memory_space<vmem>>, vector<16xi32>,
    tpu.vector_store %arg5[%swap3A_495], %convert_element_type3A_494 {strides = array<i32>} : memref<272xi32, #tpu.memory_space<vmem>>, vector<16xi32>,
    %iota3A_497 = tpu.iota {dimensions = array<i32: 0>} : vector<16xi32>
    %add3A_498 = arith.constant 176 : i32
    %add3A_499 = vector.broadcast %add3A_498 : i32 to vector<16xi32>
    %add3A_500 = arith.addi %iota3A_497, %add3A_499 : vector<16xi32>
    %convert_element_type3A_501 = arith.sitofp %add3A_500 : vector<16xi32> to vector<16xf32>
    %add3A_502 = arith.addf %convert_element_type3A_501, %gather3A_288 : vector<16xf32>
    %convert_element_type3A_503 = arith.fptosi %add3A_502 : vector<16xf32> to vector<16xi32>
    %swap3A_504 = arith.constant 176 : index
    %swap3A_505 = tpu.vector_load %arg5[%swap3A_504] {strides = array<i32>} : memref<272xi32, #tpu.memory_space<vmem>>, vector<16xi32>,
    tpu.vector_store %arg5[%swap3A_504], %convert_element_type3A_503 {strides = array<i32>} : memref<272xi32, #tpu.memory_space<vmem>>, vector<16xi32>,
    %iota3A_506 = tpu.iota {dimensions = array<i32: 0>} : vector<16xi32>
    %add3A_507 = arith.constant 192 : i32
    %add3A_508 = vector.broadcast %add3A_507 : i32 to vector<16xi32>
    %add3A_509 = arith.addi %iota3A_506, %add3A_508 : vector<16xi32>
    %convert_element_type3A_510 = arith.sitofp %add3A_509 : vector<16xi32> to vector<16xf32>
    %add3A_511 = arith.addf %convert_element_type3A_510, %gather3A_288 : vector<16xf32>
    %convert_element_type3A_512 = arith.fptosi %add3A_511 : vector<16xf32> to vector<16xi32>
    %swap3A_513 = arith.constant 192 : index
    %swap3A_514 = tpu.vector_load %arg5[%swap3A_513] {strides = array<i32>} : memref<272xi32, #tpu.memory_space<vmem>>, vector<16xi32>,
    tpu.vector_store %arg5[%swap3A_513], %convert_element_type3A_512 {strides = array<i32>} : memref<272xi32, #tpu.memory_space<vmem>>, vector<16xi32>,
    %iota3A_515 = tpu.iota {dimensions = array<i32: 0>} : vector<16xi32>
    %add3A_516 = arith.constant 208 : i32
    %add3A_517 = vector.broadcast %add3A_516 : i32 to vector<16xi32>
    %add3A_518 = arith.addi %iota3A_515, %add3A_517 : vector<16xi32>
    %convert_element_type3A_519 = arith.sitofp %add3A_518 : vector<16xi32> to vector<16xf32>
    %add3A_520 = arith.addf %convert_element_type3A_519, %gather3A_288 : vector<16xf32>
    %convert_element_type3A_521 = arith.fptosi %add3A_520 : vector<16xf32> to vector<16xi32>
    %swap3A_522 = arith.constant 208 : index
    %swap3A_523 = tpu.vector_load %arg5[%swap3A_522] {strides = array<i32>} : memref<272xi32, #tpu.memory_space<vmem>>, vector<16xi32>,
    tpu.vector_store %arg5[%swap3A_522], %convert_element_type3A_521 {strides = array<i32>} : memref<272xi32, #tpu.memory_space<vmem>>, vector<16xi32>,
    %iota3A_524 = tpu.iota {dimensions = array<i32: 0>} : vector<16xi32>
    %add3A_525 = arith.constant 224 : i32
    %add3A_526 = vector.broadcast %add3A_525 : i32 to vector<16xi32>
    %add3A_527 = arith.addi %iota3A_524, %add3A_526 : vector<16xi32>
    %convert_element_type3A_528 = arith.sitofp %add3A_527 : vector<16xi32> to vector<16xf32>
    %add3A_529 = arith.addf %convert_element_type3A_528, %gather3A_288 : vector<16xf32>
    %convert_element_type3A_530 = arith.fptosi %add3A_529 : vector<16xf32> to vector<16xi32>
    %swap3A_531 = arith.constant 224 : index
    %swap3A_532 = tpu.vector_load %arg5[%swap3A_531] {strides = array<i32>} : memref<272xi32, #tpu.memory_space<vmem>>, vector<16xi32>,
    tpu.vector_store %arg5[%swap3A_531], %convert_element_type3A_530 {strides = array<i32>} : memref<272xi32, #tpu.memory_space<vmem>>, vector<16xi32>,
    %iota3A_533 = tpu.iota {dimensions = array<i32: 0>} : vector<16xi32>
    %add3A_534 = arith.constant 240 : i32
    %add3A_535 = vector.broadcast %add3A_534 : i32 to vector<16xi32>
    %add3A_536 = arith.addi %iota3A_533, %add3A_535 : vector<16xi32>
    %convert_element_type3A_537 = arith.sitofp %add3A_536 : vector<16xi32> to vector<16xf32>
    %add3A_538 = arith.addf %convert_element_type3A_537, %gather3A_288 : vector<16xf32>
    %convert_element_type3A_539 = arith.fptosi %add3A_538 : vector<16xf32> to vector<16xi32>
    %swap3A_540 = arith.constant 240 : index
    %swap3A_541 = tpu.vector_load %arg5[%swap3A_540] {strides = array<i32>} : memref<272xi32, #tpu.memory_space<vmem>>, vector<16xi32>,
    tpu.vector_store %arg5[%swap3A_540], %convert_element_type3A_539 {strides = array<i32>} : memref<272xi32, #tpu.memory_space<vmem>>, vector<16xi32>,
    %iota3A_542 = tpu.iota {dimensions = array<i32: 0>} : vector<16xi32>
    %add3A_543 = arith.constant 256 : i32
    %add3A_544 = vector.broadcast %add3A_543 : i32 to vector<16xi32>
    %add3A_545 = arith.addi %iota3A_542, %add3A_544 : vector<16xi32>
    %convert_element_type3A_546 = arith.sitofp %add3A_545 : vector<16xi32> to vector<16xf32>
    %add3A_547 = arith.addf %convert_element_type3A_546, %gather3A_288 : vector<16xf32>
    %convert_element_type3A_548 = arith.fptosi %add3A_547 : vector<16xf32> to vector<16xi32>
    %swap3A_549 = arith.constant 256 : index
    %swap3A_550 = tpu.vector_load %arg5[%swap3A_549] {strides = array<i32>} : memref<272xi32, #tpu.memory_space<vmem>>, vector<16xi32>,
    tpu.vector_store %arg5[%swap3A_549], %convert_element_type3A_548 {strides = array<i32>} : memref<272xi32, #tpu.memory_space<vmem>>, vector<16xi32>,
    "tpu.region"() ({
      %run_scoped3A = tpu.sem_alloc : memref<!tpu.dma_semaphore, #tpu.memory_space<semaphore_mem>>
      %dma_start3A = arith.constant 0 : i32
      %dma_start3A_551 = tpu.memref_slice %arg3[%add3A_284, %dma_start3A] : memref<64x272xi32, #tpu.memory_space<hbm>> -> memref<1x272xi32, #tpu.memory_space<hbm>>
      %dma_start3A_552 = tpu.memref_squeeze %dma_start3A_551 : memref<1x272xi32, #tpu.memory_space<hbm>> -> memref<272xi32, #tpu.memory_space<hbm>>
      %dma_start3A_553 = arith.constant 0 : i32
      %dma_start3A_554 = tpu.memref_slice %arg3[%add3A_284, %dma_start3A_553] : memref<64x272xi32, #tpu.memory_space<hbm>> -> memref<1x272xi32, #tpu.memory_space<hbm>>
      %dma_start3A_555 = tpu.memref_squeeze %dma_start3A_554 : memref<1x272xi32, #tpu.memory_space<hbm>> -> memref<272xi32, #tpu.memory_space<hbm>>
      tpu.enqueue_dma source(%arg5 : memref<272xi32, #tpu.memory_space<vmem>>) target(%dma_start3A_555 : memref<272xi32, #tpu.memory_space<hbm>>) target_semaphore(%run_scoped3A : memref<!tpu.dma_semaphore, #tpu.memory_space<semaphore_mem>>)
      %dma_wait3A = arith.constant 0 : i32
      %dma_wait3A_556 = tpu.memref_slice %arg3[%add3A_284, %dma_wait3A] : memref<64x272xi32, #tpu.memory_space<hbm>> -> memref<1x272xi32, #tpu.memory_space<hbm>>
      %dma_wait3A_557 = tpu.memref_squeeze %dma_wait3A_556 : memref<1x272xi32, #tpu.memory_space<hbm>> -> memref<272xi32, #tpu.memory_space<hbm>>
      %dma_wait3A_558 = arith.constant 0 : i32
      %dma_wait3A_559 = tpu.memref_slice %arg3[%add3A_284, %dma_wait3A_558] : memref<64x272xi32, #tpu.memory_space<hbm>> -> memref<1x272xi32, #tpu.memory_space<hbm>>
      %dma_wait3A_560 = tpu.memref_squeeze %dma_wait3A_559 : memref<1x272xi32, #tpu.memory_space<hbm>> -> memref<272xi32, #tpu.memory_space<hbm>>
      tpu.wait_dma2 semaphore(%run_scoped3A : memref<!tpu.dma_semaphore, #tpu.memory_space<semaphore_mem>>) src(%arg5 : memref<272xi32, #tpu.memory_space<vmem>>) dst(%dma_wait3A_560 : memref<272xi32, #tpu.memory_space<hbm>>)
      tpu.yield
    }) : () -> ()
    return
  }
}

</mosaic_0001>

<sc_bundles>
// kernel: kernel.3.cloned.1.call-start
scs
__scs_entry_jumppad:
0x0: {  	(pc) =	sbr.rel $0x88, $3  }
0x1: {  	(tag) =	ssettag $0x0;
	lr =	simm.s32 $0x1  }
0x2: {  	[smem:$0x3FA0] =	sst lr;
	_ =	strace $0xD0000000  }
0x3: {  	_ = 	snop  }
0x4: {  	_ = 	snop  }
0x5: {  	_ = 	snop  }
0x6: {  	_ = 	snop  }
0x7: {  	_ = 	snop  }
__scs_overlays_trampoline_lowered:
0x8: {  	[smem:$0x3FAF] =	sst s0  }
0x9: {  	[smem:$0x3FB0] =	sst s1  }
0xa: {  	[smem:$0x3FB1] =	sst s2  }
0xb: {  	[smem:$0x3FB2] =	sst s3  }
0xc: {  	[smem:$0x3FB3] =	sst s4  }
0xd: {  	[smem:$0x3FB4] =	sst s5  }
0xe: {  	[smem:$0x3FB5] =	sst s6  }
0xf: {  	[smem:$0x3FB6] =	sst s7  }
0x10: {  	[smem:$0x3FB7] =	sst s8  }
0x11: {  	[smem:$0x3FB8] =	sst s9;
	s0 =	simm.s32 @!p0 $0x0  }
0x12: {  	s1 =	sld [smem:$0x3F9E];
	s0 =	simm.s32 @p0 $0x1  }
0x13: {  	[smem:$0x3FB9] =	sst s0;
	s0 =	simm.s32 @!p1 $0x0  }
0x14: {  	s2 =	sld [smem:$0x3F9D];
	s0 =	simm.s32 @p1 $0x1  }
0x15: {  	[smem:$0x3FBA] =	sst s0;
	s0 =	simm.s32 @!p2 $0x0  }
0x16: {  	s3 =	sld [smem:$0x3FDB];
	s0 =	simm.s32 @p2 $0x1  }
0x17: {  	s4 =	simm.s32 $0x1BF5;
	[smem:$0x3FBC] =	sst s0  }
0x18: {  	s0 =	sld [smem:$0x3F9F];
	_ =	swait.ge [sflag:s4], $0x0  }
0x19: {  	s7 =	sld [smem:$0x3FA0]  }
0x1a: {  	s8 =	sadd.s32 $0xFFFFE003, lr  }
0x1b: {  	s9 =	sadd.s32 $0xFFFFFEF7, lr;
	s5 =	simm.s32 $0xFFFFFFFF;
	p2 =	slt.u32 s8, $0xFFFFF086  }
0x1c: {  	p1 =	slt.u32 s9, $0xF7A;
	s5 =	simm.s32 @!p2 $0x0  }
0x1d: {  	s5 =	simm.s32 @p1 $0x1;
	p0 =	seq.s32 s7, s2  }
0x1e: {  	s7 =	smul.u32 @!p0 $0xF7A, s2;
	p2 =	seq.s32 @!p0 s5, $0x0  }
0x1f: {  	s9 =	smul.u32 $0xF7A, s1;
	s8 =	simm.s32 @!p0 $0x1BF5;
	p2 =	por !p2, p0  }
0x20: {  	[sflag:s8] =	ssyncset.s32 @!p0 $0xFFFFF086;
	s6 =	sadd.s32 @!p0 s3, s7;
	s7 =	simm.s32 @!p0 $0x108  }
0x21: {  	s3 =	sadd.s32 s3, s9;
	s6 =	sadd.s32 @!p0 $0x88, s6;
	s7 =	simm.s32 @p2 $0x1082  }
0x22: {  	[simem:s7], [sflag:s8] =	dma.local @!p0 [hbm:s6], $0xF7A  }
0x23: {  	s9 =	sor.u32 $0xD0000000, s2;
	s6 =	simm.s32 $0x108;
	_ =	swait.ge @!p0 [sflag:s8], $0x0  }
0x24: {  	s3 =	sadd.s32 $0x88, s3;
	s6 =	simm.s32 @!p1 $0x1082;
	[sflag:s4] =	ssyncset.s32 $0xFFFFF086  }
0x25: {  	[simem:s6], [sflag:s4] =	dma.local [hbm:s3], $0xF7A  }
0x26: {  	[smem:$0x3FA0] =	sst s1;
	(tag) =	ssettag s2;
	_ =	strace s9  }
0x27: {  	s1 =	sld [smem:$0x3FB0]  }
0x28: {  	s2 =	sld [smem:$0x3FB1]  }
0x29: {  	s4 =	sld [smem:$0x3FB3]  }
0x2a: {  	p0 =	seq.s32 s5, $0x0;
	s5 =	sld [smem:$0x3FB4]  }
0x2b: {  	s6 =	sld [smem:$0x3FB5]  }
0x2c: {  	s7 =	sld [smem:$0x3FB6]  }
0x2d: {  	s3 =	simm.s32 $0x108;
	s8 =	sld [smem:$0x3FB7]  }
0x2e: {  	s3 =	simm.s32 @!p0 $0x1082;
	s9 =	sld [smem:$0x3FB8]  }
0x2f: {  	lr =	sadd.s32 s0, s3;
	s0 =	sld [smem:$0x3FAF]  }
0x30: {  	s3 =	sld [smem:$0x3FB2]  }
0x31: {  	[smem:$0x3FBB] =	sst s10  }
0x32: {  	s10 =	sld [smem:$0x3FB9];
	_ =	sdelay $0x3  }
0x33: {  	p0 =	seq.s32 s10, $0x1;
	s10 =	sld [smem:$0x3FBB];
	_ =	sdelay $0x3  }
0x34: {  	[smem:$0x3FBB] =	sst s10  }
0x35: {  	s10 =	sld [smem:$0x3FBA];
	_ =	sdelay $0x3  }
0x36: {  	p1 =	seq.s32 s10, $0x1;
	s10 =	sld [smem:$0x3FBB];
	_ =	sdelay $0x3  }
0x37: {  	[smem:$0x3FBB] =	sst s10  }
0x38: {  	s10 =	sld [smem:$0x3FBC]  }
0x39: {  	_ = 	snop;
	(pc) =	sbr.ind lr, $3  }
0x3a: {  	_ = 	snop  }
0x3b: {  	_ = 	snop  }
0x3c: {  	p2 =	seq.s32 s10, $0x1;
	s10 =	sld [smem:$0x3FBB]  }
0x3d: {  	_ =	shalt  }
0x3e: {  	_ =	shalt  }
0x3f: {  	_ =	shalt  }
0x40: {  	_ =	shalt  }
0x41: {  	_ =	shalt  }
0x42: {  	_ =	shalt  }
0x43: {  	_ =	shalt  }
0x44: {  	_ =	shalt  }
0x45: {  	_ =	shalt  }
0x46: {  	_ =	shalt  }
0x47: {  	_ =	shalt  }
0x48: {  	_ =	shalt  }
0x49: {  	_ =	shalt  }
0x4a: {  	_ =	shalt  }
0x4b: {  	_ =	shalt  }
0x4c: {  	_ =	shalt  }
0x4d: {  	_ =	shalt  }
0x4e: {  	_ =	shalt  }
0x4f: {  	_ =	shalt  }
0x50: {  	_ =	shalt  }
0x51: {  	_ =	shalt  }
0x52: {  	_ =	shalt  }
0x53: {  	_ =	shalt  }
0x54: {  	_ =	shalt  }
0x55: {  	_ =	shalt  }
0x56: {  	_ =	shalt  }
0x57: {  	_ =	shalt  }
0x58: {  	_ =	shalt  }
0x59: {  	_ =	shalt  }
0x5a: {  	_ =	shalt  }
0x5b: {  	_ =	shalt  }
0x5c: {  	_ =	shalt  }
0x5d: {  	_ =	shalt  }
0x5e: {  	_ =	shalt  }
0x5f: {  	_ =	shalt  }
0x60: {  	_ =	shalt  }
0x61: {  	_ =	shalt  }
0x62: {  	_ =	shalt  }
0x63: {  	_ =	shalt  }
0x64: {  	_ =	shalt  }
0x65: {  	_ =	shalt  }
0x66: {  	_ =	shalt  }
0x67: {  	_ =	shalt  }
0x68: {  	_ =	shalt  }
0x69: {  	_ =	shalt  }
0x6a: {  	_ =	shalt  }
0x6b: {  	_ =	shalt  }
0x6c: {  	_ =	shalt  }
0x6d: {  	_ =	shalt  }
0x6e: {  	_ =	shalt  }
0x6f: {  	_ =	shalt  }
0x70: {  	_ =	shalt  }
0x71: {  	_ =	shalt  }
0x72: {  	_ =	shalt  }
0x73: {  	_ =	shalt  }
0x74: {  	_ =	shalt  }
0x75: {  	_ =	shalt  }
0x76: {  	_ =	shalt  }
0x77: {  	_ =	shalt  }
0x78: {  	_ =	shalt  }
0x79: {  	_ =	shalt  }
0x7a: {  	_ =	shalt  }
0x7b: {  	_ =	shalt  }
0x7c: {  	_ =	shalt  }
0x7d: {  	_ =	shalt  }
0x7e: {  	_ =	shalt  }
0x7f: {  	_ =	shalt  }
0x80: {  	_ =	shalt  }
0x81: {  	_ =	shalt  }
0x82: {  	_ =	shalt  }
0x83: {  	_ =	shalt  }
0x84: {  	_ =	shalt  }
0x85: {  	_ =	shalt  }
0x86: {  	_ =	shalt  }
0x87: {  	_ =	shalt  }
.Lfunc_end0:
.L_simem_size_0:
called_computation_lowered:
.L_overlay_start_0:
0x88: {  	s2 =	sld [smem:$0x3FD9]  }
0x89: {  	s3 =	sld [smem:$0x3FFE];
	_ =	sdelay $0x1  }
0x8a: {  	s1 =	srdreg.scid  }
0x8b: {  	s0 =	sand.u32 $0x1, s1  }
0x8c: {  	s18 =	sshll.u32 s0, $0xA;
	s2 =	sadd.s32 s3, s2  }
0x8d: {  	s2 =	sadd.s32 s2, s18  }
0x8e: {  	[smem:$0x3FC7] =	sst s2  }
0x8f: {  	_ = 	snop  }
0x90: {  	s2 =	sld [smem:$0x3FC9]  }
0x91: {  	s19 =	sld [smem:$0x3FD0];
	(tm) =	ssettm $0x1  }
0x92: {  	s4 =	sld [smem:$0x3FFB];
	_ =	sdelay $0x3  }
0x93: {  	_ =	strace s4  }
0x94: {  	s4 =	sld [smem:$0x3FFC];
	_ =	sdelay $0x3  }
0x95: {  	_ =	strace s4  }
0x96: {  	s4 =	sld [smem:$0x3FFD];
	_ =	sdelay $0x3  }
0x97: {  	_ =	strace s4  }
0x98: {  	_ =	strace $0x8FFFFFFF  }
0x99: {  	s20 =	sld [smem:$0x3FDB];
	_ =	sdelay $0x1  }
0x9a: {  	s5 =	simm.s32 $_scs_section_size  }
0x9b: {  	s6 =	simm.s32 $_size__tile_overlayer_lowered;
	s7 =	simm.s32 $_tile_overlayer_lowered  }
0x9c: {  	s23 =	simm.s32 $0x1BFF;
	s22 =	sshll.u32 s7, $0x1;
	s4 =	sadd.s32 s5, s20  }
0x9d: {  	s8 =	simm.s32 $0x0;
	s21 =	sshll.u32 s6, $0x1;
	s6 =	sadd.s32 s22, s4  }
0x9e: {  	[timem:s8], [sflag:s23] =	dma.local [hbm:s6], s21  }
0x9f: {  	_ =	swait.ge [sflag:s23], s21  }
0xa0: {  	s5 =	ssub.s32 $0x0, s21;
	[sflag:s23] =	ssyncset.done $0x0  }
0xa1: {  	[sflag:s23] =	ssyncadd.s32 s5;
	_ =	sdelay $0x1  }
0xa2: {  	s24 =	simm.s32 $0x1B8B  }
0xa3: {  	_ =	swait.ge [sflag:s24], $0x1  }
0xa4: {  	[sflag:s24] =	ssyncset.done $0x0  }
0xa5: {  	s25 =	simm.s32 $0x1B8E;
	[sflag:s24] =	ssyncadd.s32 $0xFFFFFFFF  }
0xa6: {  	s26 =	simm.s32 $execute0_lowered;
	[smem:$0x3FD2] =	sst s25  }
0xa7: {  	s5 =	sshll.u32 s26, $0x1;
	_ =	strace $0x80000046;
	[dreg:$0x1] =	wrdreg $0xFFFFFFFF  }
0xa8: {  	s28 =	simm.s32 $_size_execute0_lowered;
	s4 =	sadd.s32 s4, s5;
	[dreg:$0x0] =	wrdreg $0x0  }
0xa9: {  	s5 =	sshll.u32 s28, $0x1;
	[dreg:$0x2] =	wrdreg s4  }
0xaa: {  	[dreg:$0x3] =	wrdreg s5  }
0xab: {  	[dreg:$0x4] =	wrdreg $0xC0  }
0xac: {  	_ =	task [dreg:s8], $0x5FFFF  }
0xad: {  	[dreg:$0x1] =	wrdreg $0xFFFFFFFF  }
0xae: {  	[dreg:$0x0] =	wrdreg $0x60  }
0xaf: {  	[dreg:$0x2] =	wrdreg s2  }
0xb0: {  	[dreg:$0x3] =	wrdreg s19  }
0xb1: {  	[dreg:$0x4] =	wrdreg $0x9  }
0xb2: {  	_ =	task.clear_ibuf [dreg:s8], $0x5FFFF;
	_ =	strace $0x90000046  }
0xb3: {  	s29 =	simm.s32 $0x9;
	_ =	strace $0x80000048  }
0xb4: {  	_ =	swait.ge [sflag:s29], $0x1  }
0xb5: {  	[sflag:s29] =	ssyncadd.s32 $0xFFFFFFFF  }
0xb6: {  	_ =	strace $0x90000048  }
0xb7: {  	_ =	sfence  }
0xb8: {  	s30 =	sld [smem:$0x0];
	_ =	sdelay $0x2  }
0xb9: {  	s31 =	sshll.u32 s1, $0xD;
	s1 =	sshrl.u32 s1, $0x2  }
0xba: {  	s3 =	sand.u32 $0x4000, s31;
	s1 =	sadd.s32 s1, s30  }
0xbb: {  	s0 =	sor.u32 s3, s0;
	s1 =	sshll.u32 s1, $0x11  }
0xbc: {  	s0 =	sor.u32 s1, s0  }
0xbd: {  	s0 =	sadd.s32 $0x8F2B, s0  }
0xbe: {  	[sflag:s0] =	ssyncadd.remote.s32 $0x1  }
0xbf: {  	_ =	sfence.sel $0xFFFF  }
0xc0: {  	[dreg:$0x0] =	wrdreg $0xFFFFFFFF;
	(pc) =	sbr.abs _section_cstart, $3  }
0xc1: {  	[dreg:$0x1] =	wrdreg $0xFFFFFFFF  }
0xc2: {  	_ =	task.clear_ibuf [dreg:s8], $0x2FFFF;
	_ =	strace $0x9FFFFFFF  }
0xc3: {  	(tm) =	ssettm $0x7FFFFFFF  }
tec
execute0_lowered:
.L_overlay_start_1:
0x0: {  	(tag) =	ssettag $0x1  }
0x1: {  	v0 =	vimm.f32 $1.500000000e+01  }
0x2: {  	vm14 =	vcmask $0x300;
	vm13 =	vcmask $0x704;
	v3 =	vimm.f32 $3.100000000e+01  }
0x3: {  	vm11 =	vcmask $0xB08;
	vm12 =	vcmask $0xF0C;
	vm10 =	vcmask $0x1310  }
0x4: {  	vm9 =	vcmask $0x1714;
	vm7 =	vcmask $0x1B18;
	vm5 =	vcmask $0x1F1C  }
0x5: {  	vm0 =	vcmask $0x2320;
	vm1 =	vcmask $0x2724;
	vm2 =	vcmask $0x2B28  }
0x6: {  	vm3 =	vcmask $0x2F2C;
	vm6 =	vcmask $0x3330;
	vm4 =	vcmask $0x3734  }
0x7: {  	vm8 =	vcmask $0x3B38;
	v5 =	vimm.f32 $6.300000000e+01;
	v6 =	vimm.f32 $7.900000000e+01  }
0x8: {  	v8 =	vimm.f32 $1.110000000e+02;
	v9 =	vimm.f32 $1.270000000e+02;
	v11 =	vimm.f32 $1.590000000e+02  }
0x9: {  	v12 =	vimm.f32 $1.750000000e+02;
	v14 =	vimm.f32 $2.070000000e+02;
	v15 =	vimm.f32 $2.230000000e+02  }
0xa: {  	v16 =	vimm.f32 $2.390000000e+02;
	v17 =	vimm.f32 $2.550000000e+02;
	v18 =	vimm.f32 $2.710000000e+02  }
0xb: {  	v0 =	vsel vm14, $0x0, v0;
	v3 =	vsel vm14, $0x41800000, v3;
	v5 =	vsel vm14, $0x42400000, v5  }
0xc: {  	v6 =	vsel vm14, $0x42800000, v6;
	v8 =	vsel vm14, $0x42C00000, v8;
	v9 =	vsel vm14, $0x42E00000, v9  }
0xd: {  	v11 =	vsel vm14, $0x43100000, v11;
	v12 =	vsel vm14, $0x43200000, v12;
	v14 =	vsel vm14, $0x43400000, v14  }
0xe: {  	v15 =	vsel vm14, $0x43500000, v15;
	v16 =	vsel vm14, $0x43600000, v16;
	v17 =	vsel vm14, $0x43700000, v17  }
0xf: {  	v18 =	vsel vm14, $0x43800000, v18;
	v0 =	vsel vm13, $0x3F800000, v0;
	v3 =	vsel vm13, $0x41880000, v3  }
0x10: {  	v5 =	vsel vm13, $0x42440000, v5;
	v6 =	vsel vm13, $0x42820000, v6;
	v8 =	vsel vm13, $0x42C20000, v8  }
0x11: {  	v9 =	vsel vm13, $0x42E20000, v9;
	v11 =	vsel vm13, $0x43110000, v11;
	v12 =	vsel vm13, $0x43210000, v12  }
0x12: {  	v14 =	vsel vm13, $0x43410000, v14;
	v15 =	vsel vm13, $0x43510000, v15;
	v16 =	vsel vm13, $0x43610000, v16  }
0x13: {  	v17 =	vsel vm13, $0x43710000, v17;
	v18 =	vsel vm13, $0x43808000, v18;
	v0 =	vsel vm11, $0x40000000, v0  }
0x14: {  	v3 =	vsel vm11, $0x41900000, v3;
	v5 =	vsel vm11, $0x42480000, v5;
	v6 =	vsel vm11, $0x42840000, v6  }
0x15: {  	v8 =	vsel vm11, $0x42C40000, v8;
	v9 =	vsel vm11, $0x42E40000, v9;
	v11 =	vsel vm11, $0x43120000, v11  }
0x16: {  	v12 =	vsel vm11, $0x43220000, v12;
	v14 =	vsel vm11, $0x43420000, v14;
	v15 =	vsel vm11, $0x43520000, v15  }
0x17: {  	s1 =	srdreg.scid;
	s0 =	stileid.u32;
	v16 =	vsel vm11, $0x43620000, v16;
	v17 =	vsel vm11, $0x43720000, v17;
	v18 =	vsel vm11, $0x43810000, v18  }
0x18: {  	s6 =	sand.u32 $0x1, s1;
	s29 =	sshll.u32 s0, $0x1;
	v0 =	vsel vm12, $0x40400000, v0;
	v3 =	vsel vm12, $0x41980000, v3;
	v5 =	vsel vm12, $0x424C0000, v5  }
0x19: {  	s30 =	sshll.u32 s0, $0x2;
	s4 =	sor.u32 s6, s29;
	v6 =	vsel vm12, $0x42860000, v6;
	v8 =	vsel vm12, $0x42C60000, v8;
	v9 =	vsel vm12, $0x42E60000, v9  }
0x1a: {  	s1 =	sand.u32 $0x30, s30;
	s2 =	sshll.u32 s4, $0x1;
	s7 =	sshllo.u32 s4, $0x1;
	v11 =	vsel vm12, $0x43130000, v11;
	v12 =	vsel vm12, $0x43230000, v12;
	v14 =	vsel vm12, $0x43430000, v14  }
0x1b: {  	s2 =	ssub.s32 s2, s1;
	s31 =	ssub.s32 s7, s1;
	v15 =	vsel vm12, $0x43530000, v15;
	v16 =	vsel vm12, $0x43630000, v16;
	v17 =	vsel vm12, $0x43730000, v17  }
0x1c: {  	v18 =	vsel vm12, $0x43818000, v18;
	v1 =	vmov s2;
	v2 =	vmov s31  }
0x1d: {  	v0 =	vsel vm10, $0x40800000, v0;
	v3 =	vsel vm10, $0x41A00000, v3;
	v5 =	vsel vm10, $0x42500000, v5  }
0x1e: {  	v6 =	vsel vm10, $0x42880000, v6;
	v8 =	vsel vm10, $0x42C80000, v8;
	v9 =	vsel vm10, $0x42E80000, v9  }
0x1f: {  	v11 =	vsel vm10, $0x43140000, v11;
	v12 =	vsel vm10, $0x43240000, v12;
	v14 =	vsel vm10, $0x43440000, v14  }
0x20: {  	v15 =	vsel vm10, $0x43540000, v15;
	v16 =	vsel vm10, $0x43640000, v16;
	v17 =	vsel vm10, $0x43740000, v17  }
0x21: {  	v18 =	vsel vm10, $0x43820000, v18;
	v0 =	vsel vm9, $0x40A00000, v0;
	v3 =	vsel vm9, $0x41A80000, v3  }
0x22: {  	v5 =	vsel vm9, $0x42540000, v5;
	v6 =	vsel vm9, $0x428A0000, v6;
	v8 =	vsel vm9, $0x42CA0000, v8  }
0x23: {  	v9 =	vsel vm9, $0x42EA0000, v9;
	v11 =	vsel vm9, $0x43150000, v11;
	v12 =	vsel vm9, $0x43250000, v12  }
0x24: {  	v14 =	vsel vm9, $0x43450000, v14;
	v15 =	vsel vm9, $0x43550000, v15;
	v16 =	vsel vm9, $0x43650000, v16  }
0x25: {  	v17 =	vsel vm9, $0x43750000, v17;
	v18 =	vsel vm9, $0x43828000, v18;
	v0 =	vsel vm7, $0x40C00000, v0  }
0x26: {  	v3 =	vsel vm7, $0x41B00000, v3;
	v5 =	vsel vm7, $0x42580000, v5;
	v6 =	vsel vm7, $0x428C0000, v6  }
0x27: {  	v8 =	vsel vm7, $0x42CC0000, v8;
	v9 =	vsel vm7, $0x42EC0000, v9;
	v11 =	vsel vm7, $0x43160000, v11  }
0x28: {  	v12 =	vsel vm7, $0x43260000, v12;
	v14 =	vsel vm7, $0x43460000, v14;
	v15 =	vsel vm7, $0x43560000, v15  }
0x29: {  	v16 =	vsel vm7, $0x43660000, v16;
	v17 =	vsel vm7, $0x43760000, v17;
	v18 =	vsel vm7, $0x43830000, v18  }
0x2a: {  	v0 =	vsel vm5, $0x40E00000, v0;
	v3 =	vsel vm5, $0x41B80000, v3;
	v5 =	vsel vm5, $0x425C0000, v5  }
0x2b: {  	v6 =	vsel vm5, $0x428E0000, v6;
	v8 =	vsel vm5, $0x42CE0000, v8;
	v9 =	vsel vm5, $0x42EE0000, v9  }
0x2c: {  	v11 =	vsel vm5, $0x43170000, v11;
	v12 =	vsel vm5, $0x43270000, v12;
	v14 =	vsel vm5, $0x43470000, v14  }
0x2d: {  	v15 =	vsel vm5, $0x43570000, v15;
	v16 =	vsel vm5, $0x43670000, v16;
	v17 =	vsel vm5, $0x43770000, v17  }
0x2e: {  	v18 =	vsel vm5, $0x43838000, v18;
	v0 =	vsel vm0, $0x41000000, v0;
	v3 =	vsel vm0, $0x41C00000, v3  }
0x2f: {  	v5 =	vsel vm0, $0x42600000, v5;
	v6 =	vsel vm0, $0x42900000, v6;
	v8 =	vsel vm0, $0x42D00000, v8  }
0x30: {  	v9 =	vsel vm0, $0x42F00000, v9;
	v11 =	vsel vm0, $0x43180000, v11;
	v12 =	vsel vm0, $0x43280000, v12  }
0x31: {  	v14 =	vsel vm0, $0x43480000, v14;
	v15 =	vsel vm0, $0x43580000, v15;
	v16 =	vsel vm0, $0x43680000, v16  }
0x32: {  	v17 =	vsel vm0, $0x43780000, v17;
	v18 =	vsel vm0, $0x43840000, v18;
	v0 =	vsel vm1, $0x41100000, v0  }
0x33: {  	v3 =	vsel vm1, $0x41C80000, v3;
	v5 =	vsel vm1, $0x42640000, v5;
	v6 =	vsel vm1, $0x42920000, v6  }
0x34: {  	v8 =	vsel vm1, $0x42D20000, v8;
	v9 =	vsel vm1, $0x42F20000, v9;
	v11 =	vsel vm1, $0x43190000, v11  }
0x35: {  	v12 =	vsel vm1, $0x43290000, v12;
	v14 =	vsel vm1, $0x43490000, v14;
	v15 =	vsel vm1, $0x43590000, v15  }
0x36: {  	v16 =	vsel vm1, $0x43690000, v16;
	v17 =	vsel vm1, $0x43790000, v17;
	v0 =	vsel vm2, $0x41200000, v0  }
0x37: {  	v18 =	vsel vm1, $0x43848000, v18;
	v3 =	vsel vm2, $0x41D00000, v3;
	v0 =	vsel vm3, $0x41300000, v0  }
0x38: {  	v5 =	vsel vm2, $0x42680000, v5;
	v3 =	vsel vm3, $0x41D80000, v3;
	v0 =	vsel vm6, $0x41400000, v0  }
0x39: {  	v6 =	vsel vm2, $0x42940000, v6;
	v3 =	vsel vm6, $0x41E00000, v3;
	v0 =	vsel vm4, $0x41500000, v0  }
0x3a: {  	v4 =	vsel vm8, $0x41600000, v0;
	v0 =	vsel vm4, $0x41E80000, v3;
	v3 =	vimm.f32 $4.700000000e+01  }
0x3b: {  	v8 =	vsel vm2, $0x42D40000, v8;
	v9 =	vsel vm2, $0x42F40000, v9;
	v3 =	vsel vm14, $0x42000000, v3  }
0x3c: {  	v11 =	vsel vm2, $0x431A0000, v11;
	v12 =	vsel vm2, $0x432A0000, v12;
	v3 =	vsel vm13, $0x42040000, v3  }
0x3d: {  	v14 =	vsel vm2, $0x434A0000, v14;
	v15 =	vsel vm2, $0x435A0000, v15;
	v3 =	vsel vm11, $0x42080000, v3  }
0x3e: {  	v16 =	vsel vm2, $0x436A0000, v16;
	v17 =	vsel vm2, $0x437A0000, v17;
	v3 =	vsel vm12, $0x420C0000, v3  }
0x3f: {  	v18 =	vsel vm2, $0x43850000, v18;
	v5 =	vsel vm3, $0x426C0000, v5;
	v3 =	vsel vm10, $0x42100000, v3  }
0x40: {  	v7 =	vsel vm3, $0x42960000, v6;
	v8 =	vsel vm3, $0x42D60000, v8;
	v3 =	vsel vm9, $0x42140000, v3  }
0x41: {  	v9 =	vsel vm3, $0x42F60000, v9;
	v11 =	vsel vm3, $0x431B0000, v11;
	v3 =	vsel vm7, $0x42180000, v3  }
0x42: {  	v12 =	vsel vm3, $0x432B0000, v12;
	v14 =	vsel vm3, $0x434B0000, v14;
	v3 =	vsel vm5, $0x421C0000, v3  }
0x43: {  	s5 =	rddreg [dreg:$0x0];
	v15 =	vsel vm3, $0x435B0000, v15;
	v16 =	vsel vm3, $0x436B0000, v16;
	v3 =	vsel vm0, $0x42200000, v3  }
0x44: {  	s10 =	rddreg [dreg:$0x1];
	s8 =	simm.s32 $0x0;
	v17 =	vsel vm3, $0x437B0000, v17;
	v18 =	vsel vm3, $0x43858000, v18;
	v3 =	vsel vm1, $0x42240000, v3  }
0x45: {  	[smem:$0x7FF] =	sst s8;
	v5 =	vsel vm6, $0x42700000, v5;
	v10 =	vsel vm6, $0x42D80000, v8;
	v3 =	vsel vm2, $0x42280000, v3  }
0x46: {  	s3 =	simm.s32 $0x1;
	s2 =	rddreg [dreg:$0x2];
	_ =	strace $0x80000047;
	v11 =	vsel vm6, $0x431C0000, v11;
	v13 =	vsel vm6, $0x432C0000, v12;
	v3 =	vsel vm3, $0x422C0000, v3  }
0x47: {  	[tilespmem:s8], [sflag:$0x1] =	stream.linear.gather [hbm4b:s5+s8], $0x80, $0x38;
	v14 =	vsel vm6, $0x434C0000, v14;
	v15 =	vsel vm6, $0x435C0000, v15;
	v3 =	vsel vm6, $0x42300000, v3;
	[tilespmem:$0x200] =	vst v63  }
0x48: {  	_ =	swait.ge [sflag:s3], $0x80;
	v16 =	vsel vm6, $0x436C0000, v16;
	v17 =	vsel vm6, $0x437C0000, v17;
	v3 =	vsel vm4, $0x42340000, v3  }
0x49: {  	[sflag:s3] =	ssyncset.done $0x0;
	v18 =	vsel vm6, $0x43860000, v18;
	v11 =	vsel vm4, $0x431D0000, v11;
	v6 =	vsel vm8, $0x42380000, v3  }
0x4a: {  	[sflag:s3] =	ssyncadd.s32 $0xFFFFFF80;
	v3 =	vsel vm4, $0x42740000, v5;
	v5 =	vsel vm6, $0x42980000, v7;
	v7 =	vimm.f32 $9.500000000e+01  }
0x4b: {  	v19 =	vld [tilespmem:s1+$0x0];
	v14 =	vsel vm4, $0x434D0000, v14;
	v15 =	vsel vm4, $0x435D0000, v15;
	v7 =	vsel vm14, $0x42A00000, v7  }
0x4c: {  	v16 =	vsel vm4, $0x436D0000, v16;
	v20 =	vsel vm4, $0x437D0000, v17;
	v7 =	vsel vm13, $0x42A20000, v7  }
0x4d: {  	v18 =	vsel vm4, $0x43868000, v18;
	v12 =	vsel vm8, $0x431E0000, v11;
	v7 =	vsel vm11, $0x42A40000, v7  }
0x4e: {  	v11 =	vsel vm4, $0x432D0000, v13;
	v13 =	vimm.f32 $1.910000000e+02;
	v7 =	vsel vm12, $0x42A60000, v7  }
0x4f: {  	v14 =	vsel vm8, $0x434E0000, v14;
	v15 =	vsel vm8, $0x435E0000, v15;
	v7 =	vsel vm10, $0x42A80000, v7  }
0x50: {  	v21 =	vperm.xlane v19, v1;
	v17 =	vsel vm8, $0x436E0000, v16;
	v7 =	vsel vm9, $0x42AA0000, v7  }
0x51: {  	v16 =	vsel vm8, $0x437E0000, v20;
	v18 =	vsel vm8, $0x43870000, v18;
	v7 =	vsel vm7, $0x42AC0000, v7  }
0x52: {  	v19 =	vperm.xlane v19, v2;
	v0 =	vsel vm8, $0x41F00000, v0;
	v7 =	vsel vm5, $0x42AE0000, v7  }
0x53: {  	v11 =	vsel vm8, $0x432E0000, v11;
	v13 =	vsel vm14, $0x43300000, v13;
	v7 =	vsel vm0, $0x42B00000, v7  }
0x54: {  	v13 =	vsel vm13, $0x43310000, v13;
	v22 =	vadd.f32 v0, v21;
	v7 =	vsel vm1, $0x42B20000, v7  }
0x55: {  	v23 =	vadd.f32 v14, v21;
	v29 =	vadd.f32 v4, v21;
	v7 =	vsel vm2, $0x42B40000, v7  }
0x56: {  	v31 =	vadd.f32 v11, v21;
	v13 =	vsel vm11, $0x43320000, v13;
	v7 =	vsel vm3, $0x42B60000, v7  }
0x57: {  	v13 =	vsel vm12, $0x43330000, v13;
	v23 =	vtrunc.f32 v23;
	v7 =	vsel vm6, $0x42B80000, v7  }
0x58: {  	v22 =	vtrunc.f32 v22;
	v13 =	vsel vm10, $0x43340000, v13;
	v7 =	vsel vm4, $0x42BA0000, v7  }
0x59: {  	v8 =	vsel vm8, $0x42BC0000, v7;
	v7 =	vsel vm4, $0x42DA0000, v10;
	v10 =	vsel vm6, $0x42F80000, v9  }
0x5a: {  	v9 =	vsel vm8, $0x42DC0000, v7;
	v7 =	vsel vm4, $0x42FA0000, v10;
	v10 =	vimm.f32 $1.430000000e+02  }
0x5b: {  	v29 =	vtrunc.f32 v29;
	v13 =	vsel vm9, $0x43350000, v13;
	v10 =	vsel vm14, $0x43000000, v10  }
0x5c: {  	v31 =	vtrunc.f32 v31;
	v13 =	vsel vm7, $0x43360000, v13;
	v10 =	vsel vm13, $0x43010000, v10  }
0x5d: {  	v30 =	vcvt.f32.s32 v22;
	v13 =	vsel vm5, $0x43370000, v13;
	v10 =	vsel vm11, $0x43020000, v10  }
0x5e: {  	v23 =	vcvt.f32.s32 v23;
	v13 =	vsel vm0, $0x43380000, v13;
	v10 =	vsel vm12, $0x43030000, v10  }
0x5f: {  	[tilespmem:$0x90] =	vst v30;
	v30 =	vcvt.f32.s32 v31;
	v13 =	vsel vm1, $0x43390000, v13;
	v10 =	vsel vm10, $0x43040000, v10  }
0x60: {  	v31 =	vadd.f32 v16, v21;
	v13 =	vsel vm2, $0x433A0000, v13;
	v10 =	vsel vm9, $0x43050000, v10  }
0x61: {  	v13 =	vsel vm3, $0x433B0000, v13;
	v5 =	vsel vm4, $0x429A0000, v5;
	v10 =	vsel vm7, $0x43060000, v10  }
0x62: {  	v13 =	vsel vm6, $0x433C0000, v13;
	v5 =	vsel vm8, $0x429C0000, v5;
	v10 =	vsel vm5, $0x43070000, v10  }
0x63: {  	s6 =	ssub.s32 $0x2, s6;
	v3 =	vsel vm8, $0x42780000, v3;
	v25 =	vadd.f32 v5, v21;
	v10 =	vsel vm0, $0x43080000, v10  }
0x64: {  	s11 =	sshrl.u32 s6, $0x1;
	v13 =	vsel vm4, $0x433D0000, v13;
	v24 =	vadd.f32 v3, v21;
	v10 =	vsel vm1, $0x43090000, v10  }
0x65: {  	s6 =	ssub.s32 s6, s11;
	v13 =	vsel vm8, $0x433E0000, v13;
	v25 =	vtrunc.f32 v25;
	v10 =	vsel vm2, $0x430A0000, v10  }
0x66: {  	s9 =	sshrl.u32 s0, $0x1;
	s11 =	smax.u32 s6, $0x1;
	v28 =	vtrunc.f32 v24;
	v25 =	vcvt.f32.s32 v25;
	v10 =	vsel vm3, $0x430B0000, v10  }
0x67: {  	s9 =	smul.u32 $0xC00, s9;
	s4 =	sshll.u32 s4, $0x8;
	p0 =	sne.s32 s11, $0x1;
	v26 =	vadd.f32 v8, v21;
	v24 =	vadd.f32 v9, v21;
	v10 =	vsel vm6, $0x430C0000, v10  }
.Ltmp0:
0x68: {  	s7 =	sshll.u32 s7, $0x7;
	s4 =	sand.u32 $0x300, s4;
	v20 =	vadd.f32 v6, v21;
	[tilespmem:$0xC0] =	vst v25;
	v25 =	vadd.f32 v15, v21;
	v10 =	vsel vm4, $0x430D0000, v10;
	(pc) =	sbr.rel @!p0 .LBB2_2-.Ltmp0, $4  }
0x69: {  	s7 =	sand.u32 $0x380, s7;
	s4 =	sor.u32 s9, s4;
	v22 =	vtrunc.f32 v26;
	v26 =	vtrunc.f32 v24;
	v10 =	vsel vm8, $0x430E0000, v10  }
0x6a: {  	s7 =	sor.u32 s9, s7;
	s4 =	sshrl.u32 s4, $0x3;
	[tilespmem:$0x140] =	vst v23;
	v28 =	vcvt.f32.s32 v28;
	v23 =	vcvt.f32.s32 v26;
	v27 =	vadd.f32 v10, v21  }
0x6b: {  	s6 =	simm.s32 $0x400;
	s7 =	sshrl.u32 s7, $0x3;
	s9 =	sadd.s32 s10, s4;
	v25 =	vtrunc.f32 v25;
	v7 =	vsel vm8, $0x42FC0000, v7;
	v24 =	vadd.f32 v12, v21  }
0x6c: {  	s4 =	sadd.s32 s10, s7;
	s7 =	simm.s32 $0x80;
	s10 =	sadd.s32 $0xFFFFFFFF, s11;
	v26 =	vadd.f32 v13, v21;
	[tilespmem:$0xE0] =	vst v23;
	v23 =	vadd.f32 v17, v21;
	v27 =	vtrunc.f32 v27  }
.LBB2_1:
0x6d: {  	p0 =	sne.s32 s10, $0x1;
	s10 =	sadd.s32 $0xFFFFFFFF, s10;
	v29 =	vcvt.f32.s32 v29;
	[tilespmem:$0xB0] =	vst v28;
	v27 =	vcvt.f32.s32 v27;
	v28 =	vadd.f32 v18, v21  }
0x6e: {  	v21 =	vadd.f32 v7, v21;
	v26 =	vtrunc.f32 v26;
	[tilespmem:$0x120] =	vst v30;
	v30 =	vtrunc.f32 v31  }
0x6f: {  	[tilespmem:$0x100] =	vst v27;
	v27 =	vcvt.f32.s32 v30;
	v28 =	vtrunc.f32 v28;
	v30 =	vadd.f32 v4, v19  }
0x70: {  	v26 =	vcvt.f32.s32 v26;
	[tilespmem:$0x80] =	vst v29;
	v28 =	vcvt.f32.s32 v28;
	v29 =	vadd.f32 v18, v19  }
0x71: {  	v22 =	vcvt.f32.s32 v22;
	v24 =	vtrunc.f32 v24;
	[tilespmem:$0x170] =	vst v27;
	v27 =	vadd.f32 v6, v19  }
0x72: {  	v20 =	vtrunc.f32 v20;
	v24 =	vcvt.f32.s32 v24;
	[tilespmem:$0x180] =	vst v28;
	v28 =	vadd.f32 v17, v19  }
0x73: {  	v20 =	vcvt.f32.s32 v20;
	v21 =	vtrunc.f32 v21;
	[tilespmem:$0x130] =	vst v26;
	v26 =	vadd.f32 v15, v19  }
0x74: {  	v21 =	vcvt.f32.s32 v21;
	[tilespmem:$0x110] =	vst v24;
	v24 =	vtrunc.f32 v30;
	v30 =	vadd.f32 v14, v19  }
0x75: {  	v29 =	vtrunc.f32 v29;
	[tilespmem:$0xD0] =	vst v22;
	v22 =	vtrunc.f32 v27;
	v27 =	vadd.f32 v13, v19  }
0x76: {  	[tilespmem:$0xA0] =	vst v20;
	v20 =	vtrunc.f32 v23;
	v23 =	vtrunc.f32 v28;
	v28 =	vadd.f32 v16, v19  }
0x77: {  	[tilespmem:$0xF0] =	vst v21;
	v21 =	vcvt.f32.s32 v25;
	v20 =	vcvt.f32.s32 v20;
	v25 =	vadd.f32 v12, v19  }
0x78: {  	v31 =	vadd.f32 v10, v19;
	v26 =	vtrunc.f32 v26;
	v30 =	vtrunc.f32 v30  }
0x79: {  	v27 =	vtrunc.f32 v27;
	v28 =	vtrunc.f32 v28;
	[tilespmem:$0x150] =	vst v21;
	v21 =	vadd.f32 v11, v19  }
0x7a: {  	v31 =	vtrunc.f32 v31;
	v25 =	vtrunc.f32 v25;
	[tilespmem:$0x160] =	vst v20;
	v20 =	vadd.f32 v9, v19  }
0x7b: {  	v32 =	vadd.f32 v5, v19;
	v33 =	vadd.f32 v8, v19;
	[hbm4b:s9+s7] =	stream.strided.scatter [tilespmem:s7], [sflag:$0x1], $0x180, s6, s7, $0x38;
	v21 =	vtrunc.f32 v21;
	[tilespmem:$0x200] =	vst v63  }
0x7c: {  	v34 =	vadd.f32 v0, v19;
	v35 =	vadd.f32 v3, v19;
	_ =	swait.ge [sflag:s3], $0x180;
	v20 =	vtrunc.f32 v20  }
0x7d: {  	v33 =	vtrunc.f32 v33;
	v24 =	vcvt.f32.s32 v24;
	v19 =	vadd.f32 v7, v19;
	[sflag:s3] =	ssyncset.done $0x0  }
0x7e: {  	v32 =	vtrunc.f32 v32;
	v29 =	vcvt.f32.s32 v29;
	[sflag:s3] =	ssyncadd.s32 $0xFFFFFE80  }
0x7f: {  	v22 =	vcvt.f32.s32 v22;
	[tilespmem:$0x80] =	vst v24;
	v24 =	vtrunc.f32 v35  }
0x80: {  	v23 =	vcvt.f32.s32 v23;
	[tilespmem:$0x180] =	vst v29  }
0x81: {  	[tilespmem:$0xA0] =	vst v22;
	v22 =	vcvt.f32.s32 v26  }
0x82: {  	v26 =	vcvt.f32.s32 v30;
	[tilespmem:$0x160] =	vst v23  }
0x83: {  	v23 =	vcvt.f32.s32 v27;
	[tilespmem:$0x150] =	vst v22  }
0x84: {  	v22 =	vcvt.f32.s32 v28;
	[tilespmem:$0x140] =	vst v26  }
0x85: {  	v25 =	vcvt.f32.s32 v25;
	[tilespmem:$0x130] =	vst v23  }
0x86: {  	v23 =	vcvt.f32.s32 v31;
	[tilespmem:$0x170] =	vst v22  }
0x87: {  	v21 =	vcvt.f32.s32 v21;
	[tilespmem:$0x110] =	vst v25  }
0x88: {  	v20 =	vcvt.f32.s32 v20;
	[tilespmem:$0x100] =	vst v23  }
0x89: {  	v22 =	vcvt.f32.s32 v33;
	[tilespmem:$0x120] =	vst v21  }
0x8a: {  	v19 =	vtrunc.f32 v19;
	v21 =	vcvt.f32.s32 v32;
	[tilespmem:$0xE0] =	vst v20  }
0x8b: {  	v23 =	vcvt.f32.s32 v24;
	v20 =	vtrunc.f32 v34;
	[tilespmem:$0xD0] =	vst v22  }
0x8c: {  	v19 =	vcvt.f32.s32 v19;
	v20 =	vcvt.f32.s32 v20;
	[tilespmem:$0xC0] =	vst v21  }
0x8d: {  	[tilespmem:$0xB0] =	vst v23  }
0x8e: {  	[tilespmem:$0xF0] =	vst v19  }
0x8f: {  	[tilespmem:$0x90] =	vst v20  }
0x90: {  	[hbm4b:s4+s7] =	stream.strided.scatter [tilespmem:s7], [sflag:$0x1], $0x180, s6, s7, $0x38;
	[tilespmem:$0x200] =	vst v63  }
0x91: {  	_ =	swait.ge [sflag:s3], $0x180  }
0x92: {  	[sflag:s3] =	ssyncset.done $0x0  }
0x93: {  	[sflag:s3] =	ssyncadd.s32 $0xFFFFFE80  }
0x94: {  	[tilespmem:s8], [sflag:$0x1] =	stream.linear.gather [hbm4b:s5+s8], $0x80, $0x38;
	[tilespmem:$0x200] =	vst v63  }
0x95: {  	_ =	swait.ge [sflag:s3], $0x80  }
0x96: {  	[sflag:s3] =	ssyncset.done $0x0  }
0x97: {  	[sflag:s3] =	ssyncadd.s32 $0xFFFFFF80  }
0x98: {  	v19 =	vld [tilespmem:s1+$0x0];
	_ =	sdelay $0x4  }
0x99: {  	v21 =	vperm.xlane v19, v1;
	v19 =	vperm.xlane v19, v2;
	_ =	sdelay $0x1  }
0x9a: {  	v22 =	vadd.f32 v0, v21;
	v23 =	vadd.f32 v14, v21  }
0x9b: {  	v24 =	vadd.f32 v3, v21;
	v25 =	vadd.f32 v5, v21  }
0x9c: {  	v20 =	vadd.f32 v6, v21;
	v26 =	vadd.f32 v8, v21;
	v23 =	vtrunc.f32 v23  }
0x9d: {  	v28 =	vtrunc.f32 v24;
	v24 =	vadd.f32 v9, v21;
	v23 =	vcvt.f32.s32 v23  }
0x9e: {  	v29 =	vadd.f32 v4, v21;
	v22 =	vtrunc.f32 v22;
	v25 =	vtrunc.f32 v25  }
0x9f: {  	v27 =	vadd.f32 v10, v21;
	v30 =	vcvt.f32.s32 v22;
	v25 =	vcvt.f32.s32 v25;
	[tilespmem:$0x140] =	vst v23  }
.Ltmp1:
0xa0: {  	v22 =	vtrunc.f32 v26;
	v23 =	vtrunc.f32 v24;
	v24 =	vadd.f32 v12, v21;
	(pc) =	sbr.rel @p0 .LBB2_1-.Ltmp1, $4  }
0xa1: {  	v27 =	vtrunc.f32 v27;
	v23 =	vcvt.f32.s32 v23;
	[tilespmem:$0xC0] =	vst v25;
	v25 =	vadd.f32 v11, v21  }
0xa2: {  	v31 =	vadd.f32 v15, v21;
	v28 =	vcvt.f32.s32 v28;
	v26 =	vadd.f32 v13, v21  }
0xa3: {  	v29 =	vtrunc.f32 v29;
	[tilespmem:$0xE0] =	vst v23;
	v25 =	vtrunc.f32 v25;
	v23 =	vadd.f32 v17, v21  }
0xa4: {  	[tilespmem:$0x90] =	vst v30;
	v30 =	vcvt.f32.s32 v25;
	v25 =	vtrunc.f32 v31;
	v31 =	vadd.f32 v16, v21  }
.LBB2_2:
0xa5: {  	[tilespmem:$0xB0] =	vst v28;
	v1 =	vcvt.f32.s32 v27  }
0xa6: {  	v35 =	vcvt.f32.s32 v29;
	[tilespmem:$0x120] =	vst v30  }
0xa7: {  	v40 =	vcvt.f32.s32 v22;
	[tilespmem:$0x100] =	vst v1  }
0xa8: {  	v24 =	vtrunc.f32 v24;
	v42 =	vcvt.f32.s32 v25;
	[tilespmem:$0x80] =	vst v35  }
0xa9: {  	v20 =	vtrunc.f32 v20;
	v39 =	vcvt.f32.s32 v24;
	[tilespmem:$0xD0] =	vst v40  }
0xaa: {  	v36 =	vtrunc.f32 v31;
	v20 =	vcvt.f32.s32 v20;
	[tilespmem:$0x150] =	vst v42  }
0xab: {  	v2 =	vadd.f32 v18, v21;
	v26 =	vtrunc.f32 v26;
	v37 =	vcvt.f32.s32 v36;
	[tilespmem:$0x110] =	vst v39  }
0xac: {  	v38 =	vadd.f32 v7, v21;
	v41 =	vtrunc.f32 v23;
	v26 =	vcvt.f32.s32 v26;
	[tilespmem:$0xA0] =	vst v20  }
0xad: {  	v2 =	vtrunc.f32 v2;
	v43 =	vcvt.f32.s32 v41;
	[tilespmem:$0x170] =	vst v37  }
0xae: {  	v1 =	vtrunc.f32 v38;
	v2 =	vcvt.f32.s32 v2;
	[tilespmem:$0x130] =	vst v26  }
0xaf: {  	v1 =	vcvt.f32.s32 v1;
	[tilespmem:$0x160] =	vst v43  }
0xb0: {  	[tilespmem:$0x180] =	vst v2  }
0xb1: {  	v44 =	vadd.f32 v4, v19;
	[tilespmem:$0xF0] =	vst v1  }
0xb2: {  	v45 =	vadd.f32 v18, v19;
	v46 =	vadd.f32 v6, v19;
	[hbm4b:s9+s7] =	stream.strided.scatter [tilespmem:s7], [sflag:$0x1], $0x180, s6, s7, $0x38;
	[tilespmem:$0x200] =	vst v63  }
0xb3: {  	v47 =	vadd.f32 v17, v19;
	v15 =	vadd.f32 v15, v19;
	v2 =	vtrunc.f32 v44;
	_ =	swait.ge [sflag:s3], $0x180  }
0xb4: {  	v14 =	vadd.f32 v14, v19;
	v1 =	vtrunc.f32 v45;
	v2 =	vcvt.f32.s32 v2;
	[sflag:s3] =	ssyncset.done $0x0  }
0xb5: {  	v49 =	vadd.f32 v13, v19;
	v4 =	vtrunc.f32 v46;
	v1 =	vcvt.f32.s32 v1;
	[sflag:s3] =	ssyncadd.s32 $0xFFFFFE80  }
0xb6: {  	v51 =	vadd.f32 v16, v19;
	v6 =	vtrunc.f32 v47;
	v48 =	vcvt.f32.s32 v4;
	[tilespmem:$0x80] =	vst v2  }
0xb7: {  	v12 =	vadd.f32 v12, v19;
	v50 =	vtrunc.f32 v15;
	v6 =	vcvt.f32.s32 v6;
	[tilespmem:$0x180] =	vst v1  }
0xb8: {  	v54 =	vadd.f32 v10, v19;
	v14 =	vtrunc.f32 v14;
	v52 =	vcvt.f32.s32 v50;
	[tilespmem:$0xA0] =	vst v48  }
0xb9: {  	v9 =	vadd.f32 v9, v19;
	v4 =	vtrunc.f32 v49;
	v53 =	vcvt.f32.s32 v14;
	[tilespmem:$0x160] =	vst v6  }
0xba: {  	v60 =	vadd.f32 v7, v19;
	v56 =	vtrunc.f32 v12;
	v4 =	vcvt.f32.s32 v4;
	[tilespmem:$0x150] =	vst v52  }
0xbb: {  	v0 =	vadd.f32 v0, v19;
	v59 =	vtrunc.f32 v9;
	v10 =	vcvt.f32.s32 v56;
	[tilespmem:$0x140] =	vst v53  }
0xbc: {  	v58 =	vadd.f32 v5, v19;
	v62 =	vtrunc.f32 v60;
	v5 =	vcvt.f32.s32 v59;
	[tilespmem:$0x130] =	vst v4  }
0xbd: {  	v0 =	vtrunc.f32 v0;
	v63 =	vcvt.f32.s32 v62;
	[tilespmem:$0x110] =	vst v10  }
0xbe: {  	v55 =	vadd.f32 v11, v19;
	v0 =	vcvt.f32.s32 v0;
	v1 =	vtrunc.f32 v51;
	[tilespmem:$0xE0] =	vst v5  }
0xbf: {  	v57 =	vadd.f32 v8, v19;
	v6 =	vtrunc.f32 v54;
	[tilespmem:$0xF0] =	vst v63;
	v1 =	vcvt.f32.s32 v1  }
0xc0: {  	v3 =	vadd.f32 v3, v19;
	v2 =	vtrunc.f32 v55;
	[tilespmem:$0x90] =	vst v0;
	v6 =	vcvt.f32.s32 v6  }
0xc1: {  	v4 =	vtrunc.f32 v57;
	v2 =	vcvt.f32.s32 v2;
	[tilespmem:$0x170] =	vst v1  }
0xc2: {  	v61 =	vtrunc.f32 v3;
	v4 =	vcvt.f32.s32 v4;
	[tilespmem:$0x100] =	vst v6  }
0xc3: {  	v1 =	vtrunc.f32 v58;
	[tilespmem:$0x120] =	vst v2;
	v2 =	vcvt.f32.s32 v61  }
0xc4: {  	[tilespmem:$0xD0] =	vst v4;
	v1 =	vcvt.f32.s32 v1  }
0xc5: {  	[tilespmem:$0xB0] =	vst v2  }
0xc6: {  	[tilespmem:$0xC0] =	vst v1  }
0xc7: {  	[hbm4b:s4+s7] =	stream.strided.scatter [tilespmem:s7], [sflag:$0x1], $0x180, s6, s7, $0x38;
	[tilespmem:$0x200] =	vst v63  }
0xc8: {  	_ =	swait.ge [sflag:s3], $0x180  }
0xc9: {  	[sflag:s3] =	ssyncset.done $0x0  }
0xca: {  	[sflag:s3] =	ssyncadd.s32 $0xFFFFFE80  }
0xcb: {  	_ =	sfence.sel $0x180000  }
0xcc: {  	[bflag:$0x0] =	sbarrier.arrive $0xFFFF  }
0xcd: {  	p0 =	sne.s32 s0, $0x0;
	_ =	strace $0x90000047  }
0xce: {  	s0 =	sadd.s32 @!p0 $0x100000, s2;
	[bflag:$0x2] =	sbarrier.arrive $0xFFFF  }
0xcf: {  	[sflag:s0] =	ssyncadd.tile.s32 @!p0 $0x1;
	_ =	shalt  }
.Lfunc_end2:
_tile_overlayer_lowered:
.L_overlay_start_2:
0xd0: {  	(tag) =	ssettag $0x2  }
0xd1: {  	s0 =	rddreg [dreg:$0x0];
	s2 =	stileid.u32  }
0xd2: {  	s1 =	rddreg [dreg:$0x1];
	p0 =	sne.s32 s2, $0x0  }
0xd3: {  	s3 =	rddreg [dreg:$0x2];
	[bflag:$0x3] =	sbarrier.arrive $0xFFFF;
	s2 =	simm.s32 @!p0 $0x1C01  }
0xd4: {  	[timem:s3], [sflag:s2] =	dma.local @!p0 [hbm:s0], s1  }
0xd5: {  	s0 =	simm.s32 @!p0 $0x1  }
0xd6: {  	_ =	swait.ge @!p0 [sflag:s0], s1  }
0xd7: {  	s1 =	ssub.s32 @!p0 $0x0, s1;
	[sflag:s0] =	ssyncset.done @!p0 $0x0  }
0xd8: {  	[sflag:s0] =	ssyncadd.s32 @!p0 s1  }
0xd9: {  	[bflag:$0x3] =	sbarrier.arrive $0xFFFF  }
0xda: {  	_ =	shalt  }

</sc_bundles>
